<compile_context>
chip_gen: v7x
topology: tpu7x:2x2x1
jax: 0.10.2.dev20260603
libtpu: 0.0.44.dev20260713+nightly
codegen_flags: <defaults>
</compile_context>

<pallas_src>
import functools
import math

import jax
import jax.numpy as jnp
from jax import lax
from jax.experimental import pallas as pl
from jax.experimental.pallas import tpu as pltpu
from jax.experimental.pallas import tpu_sc as plsc

_K = 17
_T = 1.0
_G0 = 1e-09
_EPS = 1e-08
_LN2 = 0.6931471805599453

_NC = 2
_NS = 16
_L = 16
_NW = _NC * _NS


def _log_via_exp(z):
    d = z - jnp.float32(1.0)
    y = d * (jnp.float32(1.0) + d * (jnp.float32(-0.5) + d * jnp.float32(1.0 / 3.0)))
    for _ in range(3):
        y = y + z * jnp.exp(-y) - jnp.float32(1.0)
    return y


def _fill_tables(dp_vec, base_tab, slope_tab):
    x = dp_vec
    ax = jnp.abs(x)
    z = jnp.float32(1.0) + jnp.exp(-ax)
    softplus = jnp.maximum(x, jnp.float32(0.0)) + _log_via_exp(z)
    raw = softplus + jnp.float32(_EPS)
    total = jnp.broadcast_to(jnp.sum(raw), (_L,))
    alpha = jnp.full((_L,), math.log(_T) - math.log(_G0), jnp.float32) / total
    scaled = raw * alpha
    incl = plsc.cumsum(scaled)
    base = incl - scaled + jnp.float32(math.log(_G0))
    m_f = lax.iota(jnp.int32, _L).astype(jnp.float32)
    base_tab[...] = base - m_f * scaled
    slope_tab[...] = scaled


def _gfn_body(n_per_w, chunk, t_hbm, dp_hbm, out_hbm, base_tab, slope_tab,
              tb0, tb1, ob0, ob1, is0, is1, os0, os1):
    wid = lax.axis_index("s") * _NC + lax.axis_index("c")
    base_off = wid * n_per_w
    nchunks = n_per_w // chunk
    tb = (tb0, tb1)
    ob = (ob0, ob1)
    isem = (is0, is1)
    osem = (os0, os1)

    def in_copy(c, b):
        off = base_off + c * chunk
        return pltpu.make_async_copy(
            t_hbm.at[pl.ds(off, chunk)], tb[b], isem[b]
        )

    def out_copy(c, b):
        off = base_off + c * chunk
        return pltpu.make_async_copy(
            ob[b], out_hbm.at[pl.ds(off, chunk)], osem[b]
        )

    in_copy(0, 0).start()
    if nchunks > 1:
        in_copy(1, 1).start()

    pltpu.sync_copy(dp_hbm, base_tab)
    _fill_tables(base_tab[...], base_tab, slope_tab)

    npairs = nchunks // 2

    def pair_body(g, carry):
        for b in (0, 1):
            c = 2 * g + b
            in_copy(c, b).wait()

            @pl.when(g >= 1)
            def _wait_out(c=c, b=b):
                out_copy(c - 2, b).wait()

            t_ref = tb[b]
            o_ref = ob[b]

            @plsc.parallel_loop(0, chunk, step=_L, unroll=4)
            def vbody(i, t_ref=t_ref, o_ref=o_ref):
                tt = t_ref[pl.ds(i, _L)]
                u = tt * jnp.float32(_K - 1)
                mi = u.astype(jnp.int32)
                bv = plsc.load_gather(base_tab, [mi])
                sv = plsc.load_gather(slope_tab, [mi])
                o_ref[pl.ds(i, _L)] = jnp.exp(bv + u * sv)
            out_copy(c, b).start()

            @pl.when(g < npairs - 1)
            def _start_in(c=c, b=b):
                in_copy(c + 2, b).start()
        return carry

    lax.fori_loop(0, npairs, pair_body, 0)

    out_copy(nchunks - 2, 0).wait()
    out_copy(nchunks - 1, 1).wait()


@functools.partial(jax.jit, static_argnums=())
def _gfn_sc(flat_t, delta_param):
    n = flat_t.shape[0]
    n_per_w = n // _NW
    chunk = 16384
    while n_per_w % chunk != 0:
        chunk //= 2
    mesh = plsc.VectorSubcoreMesh(core_axis_name="c", subcore_axis_name="s")
    body = functools.partial(_gfn_body, n_per_w, chunk)
    return pl.kernel(
        body,
        out_type=jax.ShapeDtypeStruct((n,), jnp.float32),
        mesh=mesh,
        compiler_params=pltpu.CompilerParams(needs_layout_passes=False),
        scratch_types=[
            pltpu.VMEM((_L,), jnp.float32),
            pltpu.VMEM((_L,), jnp.float32),
            pltpu.VMEM((chunk,), jnp.float32),
            pltpu.VMEM((chunk,), jnp.float32),
            pltpu.VMEM((chunk,), jnp.float32),
            pltpu.VMEM((chunk,), jnp.float32),
            pltpu.SemaphoreType.DMA,
            pltpu.SemaphoreType.DMA,
            pltpu.SemaphoreType.DMA,
            pltpu.SemaphoreType.DMA,
        ],
    )(flat_t, delta_param)


def kernel(t, delta_param, times):
    del times
    flat = t.reshape(-1).astype(jnp.float32)
    out = _gfn_sc(flat, delta_param.astype(jnp.float32))
    return out.reshape(t.shape)

# --- scband reference (transcript-rebuilt; emitter-appended) ---
"""Pipeline reference for scband-gfn-76218489634952 (READ-ONLY COPY).

The authoritative reference and input builder live on the scoring server;
editing this copy changes nothing except your own understanding.
"""

import math
import jax, jax.numpy as jnp
import numpy as np

K = 17
T = 1.0
G0 = 1e-09
EPS = 1e-08
N = 8388608


def setup_inputs(seed: int = 0) -> dict:
    key = jax.random.key(seed)
    times = jnp.array(np.linspace(0.0, T, K), dtype=jnp.float32)
    # parameter init exactly as in the torch module (logspace knots -> inv_softplus of log-increments)
    g_init = np.logspace(math.log10(G0), math.log10(T), K)
    log_init = np.log(g_init)
    delta_init = log_init[1:] - log_init[:-1]
    delta_param0 = delta_init + np.log(-np.expm1(-delta_init))
    delta_param = jnp.array(delta_param0, dtype=jnp.float32)
    t = jax.random.uniform(key, (N,), dtype=jnp.float32)  # times in [0, T)
    return {"t": t, "delta_param": delta_param, "times": times}


def _log_knots(delta_param):
    log_g0 = jnp.array([math.log(G0)], dtype=delta_param.dtype)
    raw_inc = jax.nn.softplus(delta_param) + EPS
    S = raw_inc.sum()
    target_gap = math.log(T) - math.log(G0)
    alpha = target_gap / S
    scaled = raw_inc * alpha
    tail_inc = jnp.array([EPS], dtype=delta_param.dtype)
    log_g = jnp.cumsum(jnp.concatenate([log_g0, scaled, tail_inc]), axis=0)
    return log_g


def reference(t, delta_param, times):
    logk = _log_knots(delta_param)
    flat = t.reshape(-1)
    idx = jnp.clip(jnp.searchsorted(times, flat, side='left'), 1, K - 1)
    t0 = times[idx - 1]
    t1 = times[idx]
    l0 = logk[idx - 1]
    l1 = logk[idx]
    w = (flat - t0) / (t1 - t0)
    logg = l0 + w * (l1 - l0)
    g = jnp.exp(logg)
    return g.reshape(t.shape)

if __name__ == "__main__":
    import jax
    _d = setup_inputs()
    print(jax.jit(kernel)(*tuple(_d.values())))

</pallas_src>

<mosaic_0001>
#map = affine_map<(d0, d1) -> (0)>
module attributes {stable_mosaic.version = 14 : i64} {
  func.func @_gfn_body(%arg0: i32, %arg1: i32, %arg2: memref<8388608xf32, #tpu.memory_space<hbm>>, %arg3: memref<16xf32, #tpu.memory_space<hbm>>, %arg4: memref<8388608xf32, #tpu.memory_space<hbm>>, %arg5: memref<16xf32, #tpu.memory_space<vmem>>, %arg6: memref<16xf32, #tpu.memory_space<vmem>>, %arg7: memref<16384xf32, #tpu.memory_space<vmem>>, %arg8: memref<16384xf32, #tpu.memory_space<vmem>>, %arg9: memref<16384xf32, #tpu.memory_space<vmem>>, %arg10: memref<16384xf32, #tpu.memory_space<vmem>>, %arg11: memref<!tpu.dma_semaphore, #tpu.memory_space<semaphore_mem>>, %arg12: memref<!tpu.dma_semaphore, #tpu.memory_space<semaphore_mem>>, %arg13: memref<!tpu.dma_semaphore, #tpu.memory_space<semaphore_mem>>, %arg14: memref<!tpu.dma_semaphore, #tpu.memory_space<semaphore_mem>>) attributes {dimension_semantics = [#tpu.dimension_semantics<core_parallel>, #tpu.dimension_semantics<subcore_parallel>], iteration_bounds = array<i64: 2, 16>, scalar_prefetch = 0 : i64, scratch_operands = 10 : i64, tpu.core_type = #tpu.core_type<sc_vector_subcore>, window_params = [{transform_indices = #map}, {transform_indices = #map}, {transform_indices = #map}]} {
    %mul3A = arith.constant 2 : i32
    %mul3A_0 = arith.muli %arg1, %mul3A : i32
    %add3A = arith.addi %mul3A_0, %arg0 : i32
    %mul3A_1 = arith.constant 262144 : i32
    %mul3A_2 = arith.muli %add3A, %mul3A_1 : i32
    %add3A_3 = arith.constant 0 : i32
    %add3A_4 = arith.addi %mul3A_2, %add3A_3 : i32
    %dma_start3A = tpu.memref_slice %arg2[%add3A_4] : memref<8388608xf32, #tpu.memory_space<hbm>> -> memref<16384xf32, #tpu.memory_space<hbm>>
    %dma_start3A_5 = tpu.memref_slice %arg2[%add3A_4] : memref<8388608xf32, #tpu.memory_space<hbm>> -> memref<16384xf32, #tpu.memory_space<hbm>>
    tpu.enqueue_dma source(%dma_start3A_5 : memref<16384xf32, #tpu.memory_space<hbm>>) target(%arg7 : memref<16384xf32, #tpu.memory_space<vmem>>) target_semaphore(%arg11 : memref<!tpu.dma_semaphore, #tpu.memory_space<semaphore_mem>>)
    %add3A_6 = arith.constant 16384 : i32
    %add3A_7 = arith.addi %mul3A_2, %add3A_6 : i32
    %dma_start3A_8 = tpu.memref_slice %arg2[%add3A_7] : memref<8388608xf32, #tpu.memory_space<hbm>> -> memref<16384xf32, #tpu.memory_space<hbm>>
    %dma_start3A_9 = tpu.memref_slice %arg2[%add3A_7] : memref<8388608xf32, #tpu.memory_space<hbm>> -> memref<16384xf32, #tpu.memory_space<hbm>>
    tpu.enqueue_dma source(%dma_start3A_9 : memref<16384xf32, #tpu.memory_space<hbm>>) target(%arg8 : memref<16384xf32, #tpu.memory_space<vmem>>) target_semaphore(%arg12 : memref<!tpu.dma_semaphore, #tpu.memory_space<semaphore_mem>>)
    "tpu.region"() ({
      %run_scoped3A = tpu.sem_alloc : memref<!tpu.dma_semaphore, #tpu.memory_space<semaphore_mem>>
      tpu.enqueue_dma source(%arg3 : memref<16xf32, #tpu.memory_space<hbm>>) target(%arg5 : memref<16xf32, #tpu.memory_space<vmem>>) target_semaphore(%run_scoped3A : memref<!tpu.dma_semaphore, #tpu.memory_space<semaphore_mem>>)
      tpu.wait_dma2 semaphore(%run_scoped3A : memref<!tpu.dma_semaphore, #tpu.memory_space<semaphore_mem>>) src(%arg3 : memref<16xf32, #tpu.memory_space<hbm>>) dst(%arg5 : memref<16xf32, #tpu.memory_space<vmem>>)
      tpu.yield
    }) : () -> ()
    %get3A = arith.constant 0 : index
    %get3A_10 = tpu.vector_load %arg5[%get3A] {strides = array<i32>} : memref<16xf32, #tpu.memory_space<vmem>>, vector<16xf32>,
    %abs3A = math.absf %get3A_10 : vector<16xf32>
    %neg3A = arith.constant 0.000000e+00 : f32
    %neg3A_11 = vector.broadcast %neg3A : f32 to vector<16xf32>
    %neg3A_12 = arith.subf %neg3A_11, %abs3A : vector<16xf32>
    %exp3A = math.exp %neg3A_12 : vector<16xf32>
    %add3A_13 = arith.constant 1.000000e+00 : f32
    %add3A_14 = vector.broadcast %add3A_13 : f32 to vector<16xf32>
    %add3A_15 = arith.addf %add3A_14, %exp3A : vector<16xf32>
    %max3A = arith.constant 0.000000e+00 : f32
    %max3A_16 = vector.broadcast %max3A : f32 to vector<16xf32>
    %max3A_17 = arith.maximumf %get3A_10, %max3A_16 : vector<16xf32>
    %sub3A = arith.constant 1.000000e+00 : f32
    %sub3A_18 = vector.broadcast %sub3A : f32 to vector<16xf32>
    %sub3A_19 = arith.subf %add3A_15, %sub3A_18 : vector<16xf32>
    %mul3A_20 = arith.constant 0.333333343 : f32
    %mul3A_21 = vector.broadcast %mul3A_20 : f32 to vector<16xf32>
    %mul3A_22 = arith.mulf %sub3A_19, %mul3A_21 : vector<16xf32>
    %add3A_23 = arith.constant -5.000000e-01 : f32
    %add3A_24 = vector.broadcast %add3A_23 : f32 to vector<16xf32>
    %add3A_25 = arith.addf %add3A_24, %mul3A_22 : vector<16xf32>
    %mul3A_26 = arith.mulf %sub3A_19, %add3A_25 : vector<16xf32>
    %add3A_27 = arith.constant 1.000000e+00 : f32
    %add3A_28 = vector.broadcast %add3A_27 : f32 to vector<16xf32>
    %add3A_29 = arith.addf %add3A_28, %mul3A_26 : vector<16xf32>
    %mul3A_30 = arith.mulf %sub3A_19, %add3A_29 : vector<16xf32>
    %neg3A_31 = arith.constant 0.000000e+00 : f32
    %neg3A_32 = vector.broadcast %neg3A_31 : f32 to vector<16xf32>
    %neg3A_33 = arith.subf %neg3A_32, %mul3A_30 : vector<16xf32>
    %exp3A_34 = math.exp %neg3A_33 : vector<16xf32>
    %mul3A_35 = arith.mulf %add3A_15, %exp3A_34 : vector<16xf32>
    %add3A_36 = arith.addf %mul3A_30, %mul3A_35 : vector<16xf32>
    %sub3A_37 = arith.constant 1.000000e+00 : f32
    %sub3A_38 = vector.broadcast %sub3A_37 : f32 to vector<16xf32>
    %sub3A_39 = arith.subf %add3A_36, %sub3A_38 : vector<16xf32>
    %neg3A_40 = arith.constant 0.000000e+00 : f32
    %neg3A_41 = vector.broadcast %neg3A_40 : f32 to vector<16xf32>
    %neg3A_42 = arith.subf %neg3A_41, %sub3A_39 : vector<16xf32>
    %exp3A_43 = math.exp %neg3A_42 : vector<16xf32>
    %mul3A_44 = arith.mulf %add3A_15, %exp3A_43 : vector<16xf32>
    %add3A_45 = arith.addf %sub3A_39, %mul3A_44 : vector<16xf32>
    %sub3A_46 = arith.constant 1.000000e+00 : f32
    %sub3A_47 = vector.broadcast %sub3A_46 : f32 to vector<16xf32>
    %sub3A_48 = arith.subf %add3A_45, %sub3A_47 : vector<16xf32>
    %neg3A_49 = arith.constant 0.000000e+00 : f32
    %neg3A_50 = vector.broadcast %neg3A_49 : f32 to vector<16xf32>
    %neg3A_51 = arith.subf %neg3A_50, %sub3A_48 : vector<16xf32>
    %exp3A_52 = math.exp %neg3A_51 : vector<16xf32>
    %mul3A_53 = arith.mulf %add3A_15, %exp3A_52 : vector<16xf32>
    %add3A_54 = arith.addf %sub3A_48, %mul3A_53 : vector<16xf32>
    %sub3A_55 = arith.constant 1.000000e+00 : f32
    %sub3A_56 = vector.broadcast %sub3A_55 : f32 to vector<16xf32>
    %sub3A_57 = arith.subf %add3A_54, %sub3A_56 : vector<16xf32>
    %add3A_58 = arith.addf %max3A_17, %sub3A_57 : vector<16xf32>
    %add3A_59 = arith.constant 9.99999993E-9 : f32
    %add3A_60 = vector.broadcast %add3A_59 : f32 to vector<16xf32>
    %add3A_61 = arith.addf %add3A_58, %add3A_60 : vector<16xf32>
    %reduce_sum3A = arith.constant true
    %reduce_sum3A_62 = vector.broadcast %reduce_sum3A : i1 to vector<16xi1>
    %reduce_sum3A_63 = tpu.scan <sum>, %add3A_61 masked %reduce_sum3A_62 : vector<16xf32>, vector<16xi1> -> vector<16xf32>
    %reduce_sum3A_64 = vector.extract %reduce_sum3A_63[15] : f32 from vector<16xf32>
    %broadcast_in_dim3A = vector.broadcast %reduce_sum3A_64 : f32 to vector<16xf32>
    %broadcast_in_dim3A_65 = arith.constant 20.7232666 : f32
    %broadcast_in_dim3A_66 = vector.broadcast %broadcast_in_dim3A_65 : f32 to vector<16xf32>
    %div3A = arith.divf %broadcast_in_dim3A_66, %broadcast_in_dim3A : vector<16xf32>
    %mul3A_67 = arith.mulf %add3A_61, %div3A : vector<16xf32>
    %broadcast_in_dim3A_68 = arith.constant true
    %broadcast_in_dim3A_69 = vector.broadcast %broadcast_in_dim3A_68 : i1 to vector<16xi1>
    %masked_cumsum3A = tpu.scan <sum>, %mul3A_67 masked %broadcast_in_dim3A_69 : vector<16xf32>, vector<16xi1> -> vector<16xf32>
    %sub3A_70 = arith.subf %masked_cumsum3A, %mul3A_67 : vector<16xf32>
    %add3A_71 = arith.constant -20.7232666 : f32
    %add3A_72 = vector.broadcast %add3A_71 : f32 to vector<16xf32>
    %add3A_73 = arith.addf %sub3A_70, %add3A_72 : vector<16xf32>
    %iota3A = tpu.iota {dimensions = array<i32: 0>} : vector<16xi32>
    %convert_element_type3A = arith.sitofp %iota3A : vector<16xi32> to vector<16xf32>
    %mul3A_74 = arith.mulf %convert_element_type3A, %mul3A_67 : vector<16xf32>
    %sub3A_75 = arith.subf %add3A_73, %mul3A_74 : vector<16xf32>
    %swap3A = arith.constant 0 : index
    %swap3A_76 = tpu.vector_load %arg5[%swap3A] {strides = array<i32>} : memref<16xf32, #tpu.memory_space<vmem>>, vector<16xf32>,
    tpu.vector_store %arg5[%swap3A], %sub3A_75 {strides = array<i32>} : memref<16xf32, #tpu.memory_space<vmem>>, vector<16xf32>,
    %swap3A_77 = arith.constant 0 : index
    %swap3A_78 = tpu.vector_load %arg6[%swap3A_77] {strides = array<i32>} : memref<16xf32, #tpu.memory_space<vmem>>, vector<16xf32>,
    tpu.vector_store %arg6[%swap3A_77], %mul3A_67 {strides = array<i32>} : memref<16xf32, #tpu.memory_space<vmem>>, vector<16xf32>,
    %scan3A = arith.constant 0 : i32
    %scan3A_79 = arith.constant 0 : i32
    %scan3A_80 = arith.constant 8 : i32
    %scan3A_81 = arith.addi %scan3A_79, %scan3A_80 : i32
    %scan3A_82 = arith.constant 1 : i32
    scf.for %scan3A_91 = %scan3A_79 to %scan3A_81 step %scan3A_82  : i32 {
      %mul3A_92 = arith.constant 2 : i32
      %mul3A_93 = arith.muli %mul3A_92, %scan3A_91 : i32
      %add3A_94 = arith.constant 0 : i32
      %add3A_95 = arith.addi %mul3A_93, %add3A_94 : i32
      %mul3A_96 = arith.constant 16384 : i32
      %mul3A_97 = arith.muli %add3A_95, %mul3A_96 : i32
      %add3A_98 = arith.addi %mul3A_2, %mul3A_97 : i32
      %dma_wait3A_99 = tpu.memref_slice %arg2[%add3A_98] : memref<8388608xf32, #tpu.memory_space<hbm>> -> memref<16384xf32, #tpu.memory_space<hbm>>
      %dma_wait3A_100 = tpu.memref_slice %arg2[%add3A_98] : memref<8388608xf32, #tpu.memory_space<hbm>> -> memref<16384xf32, #tpu.memory_space<hbm>>
      tpu.wait_dma2 semaphore(%arg11 : memref<!tpu.dma_semaphore, #tpu.memory_space<semaphore_mem>>) src(%dma_wait3A_100 : memref<16384xf32, #tpu.memory_space<hbm>>) dst(%arg7 : memref<16384xf32, #tpu.memory_space<vmem>>)
      %ge3A = arith.constant 1 : i32
      %ge3A_101 = arith.cmpi sge, %scan3A_91, %ge3A : i32
      %convert_element_type3A_102 = arith.extui %ge3A_101 : i1 to i32
      %cond3A = arith.constant 0 : i32
      %cond3A_103 = arith.cmpi ne, %convert_element_type3A_102, %cond3A : i32
      scf.if %cond3A_103 {
        %sub3A_142 = arith.constant 2 : i32
        %sub3A_143 = arith.subi %add3A_95, %sub3A_142 : i32
        %mul3A_144 = arith.constant 16384 : i32
        %mul3A_145 = arith.muli %sub3A_143, %mul3A_144 : i32
        %add3A_146 = arith.addi %mul3A_2, %mul3A_145 : i32
        %dma_wait3A_147 = tpu.memref_slice %arg4[%add3A_146] : memref<8388608xf32, #tpu.memory_space<hbm>> -> memref<16384xf32, #tpu.memory_space<hbm>>
        %dma_wait3A_148 = tpu.memref_slice %arg4[%add3A_146] : memref<8388608xf32, #tpu.memory_space<hbm>> -> memref<16384xf32, #tpu.memory_space<hbm>>
        tpu.wait_dma2 semaphore(%arg13 : memref<!tpu.dma_semaphore, #tpu.memory_space<semaphore_mem>>) src(%arg9 : memref<16384xf32, #tpu.memory_space<vmem>>) dst(%dma_wait3A_148 : memref<16384xf32, #tpu.memory_space<hbm>>)
      } else {
      }
      %parallel_loop3A = arith.constant 0 : i32
      %parallel_loop3A_104 = arith.constant 16384 : i32
      %parallel_loop3A_105 = arith.constant 16 : i32
      scf.for %parallel_loop3A_142 = %parallel_loop3A to %parallel_loop3A_104 step %parallel_loop3A_105  : i32 {
        %parallel_loop3A_143 = arith.index_cast %parallel_loop3A_142 : i32 to index
        %parallel_loop3A_144 = tpu.vector_load %arg7[%parallel_loop3A_143] {strides = array<i32>} : memref<16384xf32, #tpu.memory_space<vmem>>, vector<16xf32>,
        %parallel_loop3A_145 = arith.constant 1.600000e+01 : f32
        %parallel_loop3A_146 = vector.broadcast %parallel_loop3A_145 : f32 to vector<16xf32>
        %parallel_loop3A_147 = arith.mulf %parallel_loop3A_144, %parallel_loop3A_146 : vector<16xf32>
        %parallel_loop3A_148 = arith.fptosi %parallel_loop3A_147 : vector<16xf32> to vector<16xi32>
        %parallel_loop3A_149 = tpu.vector_load_idx %arg5[%parallel_loop3A_148] : memref<16xf32, #tpu.memory_space<vmem>>[vector<16xi32>], vector<16xf32>,
        %parallel_loop3A_150 = tpu.vector_load_idx %arg6[%parallel_loop3A_148] : memref<16xf32, #tpu.memory_space<vmem>>[vector<16xi32>], vector<16xf32>,
        %parallel_loop3A_151 = arith.mulf %parallel_loop3A_147, %parallel_loop3A_150 : vector<16xf32>
        %parallel_loop3A_152 = arith.addf %parallel_loop3A_149, %parallel_loop3A_151 : vector<16xf32>
        %parallel_loop3A_153 = math.exp %parallel_loop3A_152 : vector<16xf32>
        %parallel_loop3A_154 = arith.index_cast %parallel_loop3A_142 : i32 to index
        %parallel_loop3A_155 = tpu.vector_load %arg9[%parallel_loop3A_154] {strides = array<i32>} : memref<16384xf32, #tpu.memory_space<vmem>>, vector<16xf32>,
        tpu.vector_store %arg9[%parallel_loop3A_154], %parallel_loop3A_153 {strides = array<i32>} : memref<16384xf32, #tpu.memory_space<vmem>>, vector<16xf32>,
      } {sc.loop_unroll_factor = 4 : i64, sc.parallel_access}
      %mul3A_106 = arith.constant 16384 : i32
      %mul3A_107 = arith.muli %add3A_95, %mul3A_106 : i32
      %add3A_108 = arith.addi %mul3A_2, %mul3A_107 : i32
      %dma_start3A_109 = tpu.memref_slice %arg4[%add3A_108] : memref<8388608xf32, #tpu.memory_space<hbm>> -> memref<16384xf32, #tpu.memory_space<hbm>>
      %dma_start3A_110 = tpu.memref_slice %arg4[%add3A_108] : memref<8388608xf32, #tpu.memory_space<hbm>> -> memref<16384xf32, #tpu.memory_space<hbm>>
      tpu.enqueue_dma source(%arg9 : memref<16384xf32, #tpu.memory_space<vmem>>) target(%dma_start3A_110 : memref<16384xf32, #tpu.memory_space<hbm>>) target_semaphore(%arg13 : memref<!tpu.dma_semaphore, #tpu.memory_space<semaphore_mem>>)
      %lt3A = arith.constant 7 : i32
      %lt3A_111 = arith.cmpi slt, %scan3A_91, %lt3A : i32
      %convert_element_type3A_112 = arith.extui %lt3A_111 : i1 to i32
      %cond3A_113 = arith.constant 0 : i32
      %cond3A_114 = arith.cmpi ne, %convert_element_type3A_112, %cond3A_113 : i32
      scf.if %cond3A_114 {
        %add3A_142 = arith.constant 2 : i32
        %add3A_143 = arith.addi %add3A_95, %add3A_142 : i32
        %mul3A_144 = arith.constant 16384 : i32
        %mul3A_145 = arith.muli %add3A_143, %mul3A_144 : i32
        %add3A_146 = arith.addi %mul3A_2, %mul3A_145 : i32
        %dma_start3A_147 = tpu.memref_slice %arg2[%add3A_146] : memref<8388608xf32, #tpu.memory_space<hbm>> -> memref<16384xf32, #tpu.memory_space<hbm>>
        %dma_start3A_148 = tpu.memref_slice %arg2[%add3A_146] : memref<8388608xf32, #tpu.memory_space<hbm>> -> memref<16384xf32, #tpu.memory_space<hbm>>
        tpu.enqueue_dma source(%dma_start3A_148 : memref<16384xf32, #tpu.memory_space<hbm>>) target(%arg7 : memref<16384xf32, #tpu.memory_space<vmem>>) target_semaphore(%arg11 : memref<!tpu.dma_semaphore, #tpu.memory_space<semaphore_mem>>)
      } else {
      }
      %mul3A_115 = arith.constant 2 : i32
      %mul3A_116 = arith.muli %mul3A_115, %scan3A_91 : i32
      %add3A_117 = arith.constant 1 : i32
      %add3A_118 = arith.addi %mul3A_116, %add3A_117 : i32
      %mul3A_119 = arith.constant 16384 : i32
      %mul3A_120 = arith.muli %add3A_118, %mul3A_119 : i32
      %add3A_121 = arith.addi %mul3A_2, %mul3A_120 : i32
      %dma_wait3A_122 = tpu.memref_slice %arg2[%add3A_121] : memref<8388608xf32, #tpu.memory_space<hbm>> -> memref<16384xf32, #tpu.memory_space<hbm>>
      %dma_wait3A_123 = tpu.memref_slice %arg2[%add3A_121] : memref<8388608xf32, #tpu.memory_space<hbm>> -> memref<16384xf32, #tpu.memory_space<hbm>>
      tpu.wait_dma2 semaphore(%arg12 : memref<!tpu.dma_semaphore, #tpu.memory_space<semaphore_mem>>) src(%dma_wait3A_123 : memref<16384xf32, #tpu.memory_space<hbm>>) dst(%arg8 : memref<16384xf32, #tpu.memory_space<vmem>>)
      %ge3A_124 = arith.constant 1 : i32
      %ge3A_125 = arith.cmpi sge, %scan3A_91, %ge3A_124 : i32
      %convert_element_type3A_126 = arith.extui %ge3A_125 : i1 to i32
      %cond3A_127 = arith.constant 0 : i32
      %cond3A_128 = arith.cmpi ne, %convert_element_type3A_126, %cond3A_127 : i32
      scf.if %cond3A_128 {
        %sub3A_142 = arith.constant 2 : i32
        %sub3A_143 = arith.subi %add3A_118, %sub3A_142 : i32
        %mul3A_144 = arith.constant 16384 : i32
        %mul3A_145 = arith.muli %sub3A_143, %mul3A_144 : i32
        %add3A_146 = arith.addi %mul3A_2, %mul3A_145 : i32
        %dma_wait3A_147 = tpu.memref_slice %arg4[%add3A_146] : memref<8388608xf32, #tpu.memory_space<hbm>> -> memref<16384xf32, #tpu.memory_space<hbm>>
        %dma_wait3A_148 = tpu.memref_slice %arg4[%add3A_146] : memref<8388608xf32, #tpu.memory_space<hbm>> -> memref<16384xf32, #tpu.memory_space<hbm>>
        tpu.wait_dma2 semaphore(%arg14 : memref<!tpu.dma_semaphore, #tpu.memory_space<semaphore_mem>>) src(%arg10 : memref<16384xf32, #tpu.memory_space<vmem>>) dst(%dma_wait3A_148 : memref<16384xf32, #tpu.memory_space<hbm>>)
      } else {
      }
      %parallel_loop3A_129 = arith.constant 0 : i32
      %parallel_loop3A_130 = arith.constant 16384 : i32
      %parallel_loop3A_131 = arith.constant 16 : i32
      scf.for %parallel_loop3A_142 = %parallel_loop3A_129 to %parallel_loop3A_130 step %parallel_loop3A_131  : i32 {
        %parallel_loop3A_143 = arith.index_cast %parallel_loop3A_142 : i32 to index
        %parallel_loop3A_144 = tpu.vector_load %arg8[%parallel_loop3A_143] {strides = array<i32>} : memref<16384xf32, #tpu.memory_space<vmem>>, vector<16xf32>,
        %parallel_loop3A_145 = arith.constant 1.600000e+01 : f32
        %parallel_loop3A_146 = vector.broadcast %parallel_loop3A_145 : f32 to vector<16xf32>
        %parallel_loop3A_147 = arith.mulf %parallel_loop3A_144, %parallel_loop3A_146 : vector<16xf32>
        %parallel_loop3A_148 = arith.fptosi %parallel_loop3A_147 : vector<16xf32> to vector<16xi32>
        %parallel_loop3A_149 = tpu.vector_load_idx %arg5[%parallel_loop3A_148] : memref<16xf32, #tpu.memory_space<vmem>>[vector<16xi32>], vector<16xf32>,
        %parallel_loop3A_150 = tpu.vector_load_idx %arg6[%parallel_loop3A_148] : memref<16xf32, #tpu.memory_space<vmem>>[vector<16xi32>], vector<16xf32>,
        %parallel_loop3A_151 = arith.mulf %parallel_loop3A_147, %parallel_loop3A_150 : vector<16xf32>
        %parallel_loop3A_152 = arith.addf %parallel_loop3A_149, %parallel_loop3A_151 : vector<16xf32>
        %parallel_loop3A_153 = math.exp %parallel_loop3A_152 : vector<16xf32>
        %parallel_loop3A_154 = arith.index_cast %parallel_loop3A_142 : i32 to index
        %parallel_loop3A_155 = tpu.vector_load %arg10[%parallel_loop3A_154] {strides = array<i32>} : memref<16384xf32, #tpu.memory_space<vmem>>, vector<16xf32>,
        tpu.vector_store %arg10[%parallel_loop3A_154], %parallel_loop3A_153 {strides = array<i32>} : memref<16384xf32, #tpu.memory_space<vmem>>, vector<16xf32>,
      } {sc.loop_unroll_factor = 4 : i64, sc.parallel_access}
      %mul3A_132 = arith.constant 16384 : i32
      %mul3A_133 = arith.muli %add3A_118, %mul3A_132 : i32
      %add3A_134 = arith.addi %mul3A_2, %mul3A_133 : i32
      %dma_start3A_135 = tpu.memref_slice %arg4[%add3A_134] : memref<8388608xf32, #tpu.memory_space<hbm>> -> memref<16384xf32, #tpu.memory_space<hbm>>
      %dma_start3A_136 = tpu.memref_slice %arg4[%add3A_134] : memref<8388608xf32, #tpu.memory_space<hbm>> -> memref<16384xf32, #tpu.memory_space<hbm>>
      tpu.enqueue_dma source(%arg10 : memref<16384xf32, #tpu.memory_space<vmem>>) target(%dma_start3A_136 : memref<16384xf32, #tpu.memory_space<hbm>>) target_semaphore(%arg14 : memref<!tpu.dma_semaphore, #tpu.memory_space<semaphore_mem>>)
      %lt3A_137 = arith.constant 7 : i32
      %lt3A_138 = arith.cmpi slt, %scan3A_91, %lt3A_137 : i32
      %convert_element_type3A_139 = arith.extui %lt3A_138 : i1 to i32
      %cond3A_140 = arith.constant 0 : i32
      %cond3A_141 = arith.cmpi ne, %convert_element_type3A_139, %cond3A_140 : i32
      scf.if %cond3A_141 {
        %add3A_142 = arith.constant 2 : i32
        %add3A_143 = arith.addi %add3A_118, %add3A_142 : i32
        %mul3A_144 = arith.constant 16384 : i32
        %mul3A_145 = arith.muli %add3A_143, %mul3A_144 : i32
        %add3A_146 = arith.addi %mul3A_2, %mul3A_145 : i32
        %dma_start3A_147 = tpu.memref_slice %arg2[%add3A_146] : memref<8388608xf32, #tpu.memory_space<hbm>> -> memref<16384xf32, #tpu.memory_space<hbm>>
        %dma_start3A_148 = tpu.memref_slice %arg2[%add3A_146] : memref<8388608xf32, #tpu.memory_space<hbm>> -> memref<16384xf32, #tpu.memory_space<hbm>>
        tpu.enqueue_dma source(%dma_start3A_148 : memref<16384xf32, #tpu.memory_space<hbm>>) target(%arg8 : memref<16384xf32, #tpu.memory_space<vmem>>) target_semaphore(%arg12 : memref<!tpu.dma_semaphore, #tpu.memory_space<semaphore_mem>>)
      } else {
      }
    }
    %scan3A_83 = arith.constant 8 : i32
    %add3A_84 = arith.constant 229376 : i32
    %add3A_85 = arith.addi %mul3A_2, %add3A_84 : i32
    %dma_wait3A = tpu.memref_slice %arg4[%add3A_85] : memref<8388608xf32, #tpu.memory_space<hbm>> -> memref<16384xf32, #tpu.memory_space<hbm>>
    %dma_wait3A_86 = tpu.memref_slice %arg4[%add3A_85] : memref<8388608xf32, #tpu.memory_space<hbm>> -> memref<16384xf32, #tpu.memory_space<hbm>>
    tpu.wait_dma2 semaphore(%arg13 : memref<!tpu.dma_semaphore, #tpu.memory_space<semaphore_mem>>) src(%arg9 : memref<16384xf32, #tpu.memory_space<vmem>>) dst(%dma_wait3A_86 : memref<16384xf32, #tpu.memory_space<hbm>>)
    %add3A_87 = arith.constant 245760 : i32
    %add3A_88 = arith.addi %mul3A_2, %add3A_87 : i32
    %dma_wait3A_89 = tpu.memref_slice %arg4[%add3A_88] : memref<8388608xf32, #tpu.memory_space<hbm>> -> memref<16384xf32, #tpu.memory_space<hbm>>
    %dma_wait3A_90 = tpu.memref_slice %arg4[%add3A_88] : memref<8388608xf32, #tpu.memory_space<hbm>> -> memref<16384xf32, #tpu.memory_space<hbm>>
    tpu.wait_dma2 semaphore(%arg14 : memref<!tpu.dma_semaphore, #tpu.memory_space<semaphore_mem>>) src(%arg10 : memref<16384xf32, #tpu.memory_space<vmem>>) dst(%dma_wait3A_90 : memref<16384xf32, #tpu.memory_space<hbm>>)
    return
  }
}

</mosaic_0001>

<sc_bundles>
// kernel: _gfn_sc.3.cloned.1.call-start
scs
__scs_entry_jumppad:
0x0: {  	(pc) =	sbr.rel $0x88, $3  }
0x1: {  	(tag) =	ssettag $0x0;
	lr =	simm.s32 $0x1  }
0x2: {  	[smem:$0x3F9F] =	sst lr;
	_ =	strace $0xD0000000  }
0x3: {  	_ = 	snop  }
0x4: {  	_ = 	snop  }
0x5: {  	_ = 	snop  }
0x6: {  	_ = 	snop  }
0x7: {  	_ = 	snop  }
__scs_overlays_trampoline_lowered:
0x8: {  	[smem:$0x3FAE] =	sst s0  }
0x9: {  	[smem:$0x3FAF] =	sst s1  }
0xa: {  	[smem:$0x3FB0] =	sst s2  }
0xb: {  	[smem:$0x3FB1] =	sst s3  }
0xc: {  	[smem:$0x3FB2] =	sst s4  }
0xd: {  	[smem:$0x3FB3] =	sst s5  }
0xe: {  	[smem:$0x3FB4] =	sst s6  }
0xf: {  	[smem:$0x3FB5] =	sst s7  }
0x10: {  	[smem:$0x3FB6] =	sst s8  }
0x11: {  	[smem:$0x3FB7] =	sst s9;
	s0 =	simm.s32 @!p0 $0x0  }
0x12: {  	s1 =	sld [smem:$0x3F9D];
	s0 =	simm.s32 @p0 $0x1  }
0x13: {  	[smem:$0x3FB8] =	sst s0;
	s0 =	simm.s32 @!p1 $0x0  }
0x14: {  	s2 =	sld [smem:$0x3F9C];
	s0 =	simm.s32 @p1 $0x1  }
0x15: {  	[smem:$0x3FB9] =	sst s0;
	s0 =	simm.s32 @!p2 $0x0  }
0x16: {  	s3 =	sld [smem:$0x3FDB];
	s0 =	simm.s32 @p2 $0x1  }
0x17: {  	s4 =	simm.s32 $0x1BF5;
	[smem:$0x3FBB] =	sst s0  }
0x18: {  	s0 =	sld [smem:$0x3F9E];
	_ =	swait.ge [sflag:s4], $0x0  }
0x19: {  	s7 =	sld [smem:$0x3F9F]  }
0x1a: {  	s8 =	sadd.s32 $0xFFFFE003, lr  }
0x1b: {  	s9 =	sadd.s32 $0xFFFFFEF7, lr;
	s5 =	simm.s32 $0xFFFFFFFF;
	p2 =	slt.u32 s8, $0xFFFFF086  }
0x1c: {  	p1 =	slt.u32 s9, $0xF7A;
	s5 =	simm.s32 @!p2 $0x0  }
0x1d: {  	s5 =	simm.s32 @p1 $0x1;
	p0 =	seq.s32 s7, s2  }
0x1e: {  	s7 =	smul.u32 @!p0 $0xF7A, s2;
	p2 =	seq.s32 @!p0 s5, $0x0  }
0x1f: {  	s9 =	smul.u32 $0xF7A, s1;
	s8 =	simm.s32 @!p0 $0x1BF5;
	p2 =	por !p2, p0  }
0x20: {  	[sflag:s8] =	ssyncset.s32 @!p0 $0xFFFFF086;
	s6 =	sadd.s32 @!p0 s3, s7;
	s7 =	simm.s32 @!p0 $0x108  }
0x21: {  	s3 =	sadd.s32 s3, s9;
	s6 =	sadd.s32 @!p0 $0x88, s6;
	s7 =	simm.s32 @p2 $0x1082  }
0x22: {  	[simem:s7], [sflag:s8] =	dma.local @!p0 [hbm:s6], $0xF7A  }
0x23: {  	s9 =	sor.u32 $0xD0000000, s2;
	s6 =	simm.s32 $0x108;
	_ =	swait.ge @!p0 [sflag:s8], $0x0  }
0x24: {  	s3 =	sadd.s32 $0x88, s3;
	s6 =	simm.s32 @!p1 $0x1082;
	[sflag:s4] =	ssyncset.s32 $0xFFFFF086  }
0x25: {  	[simem:s6], [sflag:s4] =	dma.local [hbm:s3], $0xF7A  }
0x26: {  	[smem:$0x3F9F] =	sst s1;
	(tag) =	ssettag s2;
	_ =	strace s9  }
0x27: {  	s1 =	sld [smem:$0x3FAF]  }
0x28: {  	s2 =	sld [smem:$0x3FB0]  }
0x29: {  	s4 =	sld [smem:$0x3FB2]  }
0x2a: {  	p0 =	seq.s32 s5, $0x0;
	s5 =	sld [smem:$0x3FB3]  }
0x2b: {  	s6 =	sld [smem:$0x3FB4]  }
0x2c: {  	s7 =	sld [smem:$0x3FB5]  }
0x2d: {  	s3 =	simm.s32 $0x108;
	s8 =	sld [smem:$0x3FB6]  }
0x2e: {  	s3 =	simm.s32 @!p0 $0x1082;
	s9 =	sld [smem:$0x3FB7]  }
0x2f: {  	lr =	sadd.s32 s0, s3;
	s0 =	sld [smem:$0x3FAE]  }
0x30: {  	s3 =	sld [smem:$0x3FB1]  }
0x31: {  	[smem:$0x3FBA] =	sst s10  }
0x32: {  	s10 =	sld [smem:$0x3FB8];
	_ =	sdelay $0x3  }
0x33: {  	p0 =	seq.s32 s10, $0x1;
	s10 =	sld [smem:$0x3FBA];
	_ =	sdelay $0x3  }
0x34: {  	[smem:$0x3FBA] =	sst s10  }
0x35: {  	s10 =	sld [smem:$0x3FB9];
	_ =	sdelay $0x3  }
0x36: {  	p1 =	seq.s32 s10, $0x1;
	s10 =	sld [smem:$0x3FBA];
	_ =	sdelay $0x3  }
0x37: {  	[smem:$0x3FBA] =	sst s10  }
0x38: {  	s10 =	sld [smem:$0x3FBB]  }
0x39: {  	_ = 	snop;
	(pc) =	sbr.ind lr, $3  }
0x3a: {  	_ = 	snop  }
0x3b: {  	_ = 	snop  }
0x3c: {  	p2 =	seq.s32 s10, $0x1;
	s10 =	sld [smem:$0x3FBA]  }
0x3d: {  	_ =	shalt  }
0x3e: {  	_ =	shalt  }
0x3f: {  	_ =	shalt  }
0x40: {  	_ =	shalt  }
0x41: {  	_ =	shalt  }
0x42: {  	_ =	shalt  }
0x43: {  	_ =	shalt  }
0x44: {  	_ =	shalt  }
0x45: {  	_ =	shalt  }
0x46: {  	_ =	shalt  }
0x47: {  	_ =	shalt  }
0x48: {  	_ =	shalt  }
0x49: {  	_ =	shalt  }
0x4a: {  	_ =	shalt  }
0x4b: {  	_ =	shalt  }
0x4c: {  	_ =	shalt  }
0x4d: {  	_ =	shalt  }
0x4e: {  	_ =	shalt  }
0x4f: {  	_ =	shalt  }
0x50: {  	_ =	shalt  }
0x51: {  	_ =	shalt  }
0x52: {  	_ =	shalt  }
0x53: {  	_ =	shalt  }
0x54: {  	_ =	shalt  }
0x55: {  	_ =	shalt  }
0x56: {  	_ =	shalt  }
0x57: {  	_ =	shalt  }
0x58: {  	_ =	shalt  }
0x59: {  	_ =	shalt  }
0x5a: {  	_ =	shalt  }
0x5b: {  	_ =	shalt  }
0x5c: {  	_ =	shalt  }
0x5d: {  	_ =	shalt  }
0x5e: {  	_ =	shalt  }
0x5f: {  	_ =	shalt  }
0x60: {  	_ =	shalt  }
0x61: {  	_ =	shalt  }
0x62: {  	_ =	shalt  }
0x63: {  	_ =	shalt  }
0x64: {  	_ =	shalt  }
0x65: {  	_ =	shalt  }
0x66: {  	_ =	shalt  }
0x67: {  	_ =	shalt  }
0x68: {  	_ =	shalt  }
0x69: {  	_ =	shalt  }
0x6a: {  	_ =	shalt  }
0x6b: {  	_ =	shalt  }
0x6c: {  	_ =	shalt  }
0x6d: {  	_ =	shalt  }
0x6e: {  	_ =	shalt  }
0x6f: {  	_ =	shalt  }
0x70: {  	_ =	shalt  }
0x71: {  	_ =	shalt  }
0x72: {  	_ =	shalt  }
0x73: {  	_ =	shalt  }
0x74: {  	_ =	shalt  }
0x75: {  	_ =	shalt  }
0x76: {  	_ =	shalt  }
0x77: {  	_ =	shalt  }
0x78: {  	_ =	shalt  }
0x79: {  	_ =	shalt  }
0x7a: {  	_ =	shalt  }
0x7b: {  	_ =	shalt  }
0x7c: {  	_ =	shalt  }
0x7d: {  	_ =	shalt  }
0x7e: {  	_ =	shalt  }
0x7f: {  	_ =	shalt  }
0x80: {  	_ =	shalt  }
0x81: {  	_ =	shalt  }
0x82: {  	_ =	shalt  }
0x83: {  	_ =	shalt  }
0x84: {  	_ =	shalt  }
0x85: {  	_ =	shalt  }
0x86: {  	_ =	shalt  }
0x87: {  	_ =	shalt  }
.Lfunc_end0:
.L_simem_size_0:
called_computation_lowered:
.L_overlay_start_0:
0x88: {  	s2 =	sld [smem:$0x3FD9]  }
0x89: {  	s3 =	sld [smem:$0x3FFE];
	_ =	sdelay $0x1  }
0x8a: {  	s1 =	srdreg.scid  }
0x8b: {  	s0 =	sand.u32 $0x1, s1  }
0x8c: {  	s18 =	sshll.u32 s0, $0xA;
	s2 =	sadd.s32 s3, s2  }
0x8d: {  	s2 =	sadd.s32 s2, s18  }
0x8e: {  	[smem:$0x3FC6] =	sst s2  }
0x8f: {  	_ = 	snop  }
0x90: {  	s2 =	sld [smem:$0x3FC9]  }
0x91: {  	s19 =	sld [smem:$0x3FC8]  }
0x92: {  	s4 =	sld [smem:$0x3FD0];
	(tm) =	ssettm $0x1  }
0x93: {  	s5 =	sld [smem:$0x3FFB];
	_ =	sdelay $0x3  }
0x94: {  	_ =	strace s5  }
0x95: {  	s5 =	sld [smem:$0x3FFC];
	_ =	sdelay $0x3  }
0x96: {  	_ =	strace s5  }
0x97: {  	s5 =	sld [smem:$0x3FFD];
	_ =	sdelay $0x3  }
0x98: {  	_ =	strace s5  }
0x99: {  	_ =	strace $0x8FFFFFFF  }
0x9a: {  	s20 =	sld [smem:$0x3FDB];
	_ =	sdelay $0x1  }
0x9b: {  	s6 =	simm.s32 $_scs_section_size  }
0x9c: {  	s7 =	simm.s32 $_size__tile_overlayer_lowered;
	s8 =	simm.s32 $_tile_overlayer_lowered  }
0x9d: {  	s23 =	simm.s32 $0x1BFF;
	s22 =	sshll.u32 s8, $0x1;
	s5 =	sadd.s32 s6, s20  }
0x9e: {  	s9 =	simm.s32 $0x0;
	s21 =	sshll.u32 s7, $0x1;
	s7 =	sadd.s32 s22, s5  }
0x9f: {  	[timem:s9], [sflag:s23] =	dma.local [hbm:s7], s21  }
0xa0: {  	_ =	swait.ge [sflag:s23], s21  }
0xa1: {  	s6 =	ssub.s32 $0x0, s21;
	[sflag:s23] =	ssyncset.done $0x0  }
0xa2: {  	[sflag:s23] =	ssyncadd.s32 s6;
	_ =	sdelay $0x1  }
0xa3: {  	s24 =	simm.s32 $0x1B8B  }
0xa4: {  	_ =	swait.ge [sflag:s24], $0x1  }
0xa5: {  	[sflag:s24] =	ssyncset.done $0x0  }
0xa6: {  	s25 =	simm.s32 $0x1B8E;
	[sflag:s24] =	ssyncadd.s32 $0xFFFFFFFF  }
0xa7: {  	s26 =	simm.s32 $execute0_lowered;
	[smem:$0x3FD2] =	sst s25  }
0xa8: {  	s6 =	sshll.u32 s26, $0x1;
	_ =	strace $0x80000046;
	[dreg:$0x1] =	wrdreg $0xFFFFFFFF  }
0xa9: {  	s28 =	simm.s32 $_size_execute0_lowered;
	s5 =	sadd.s32 s5, s6;
	[dreg:$0x0] =	wrdreg $0x0  }
0xaa: {  	s6 =	sshll.u32 s28, $0x1;
	[dreg:$0x2] =	wrdreg s5  }
0xab: {  	[dreg:$0x3] =	wrdreg s6  }
0xac: {  	[dreg:$0x4] =	wrdreg $0xC0  }
0xad: {  	_ =	task [dreg:s9], $0x5FFFF  }
0xae: {  	[dreg:$0x1] =	wrdreg $0xFFFFFFFF  }
0xaf: {  	[dreg:$0x0] =	wrdreg $0x60  }
0xb0: {  	[dreg:$0x2] =	wrdreg s2  }
0xb1: {  	[dreg:$0x3] =	wrdreg s19  }
0xb2: {  	[dreg:$0x4] =	wrdreg s4  }
0xb3: {  	[dreg:$0x5] =	wrdreg $0x9  }
0xb4: {  	_ =	task.clear_ibuf [dreg:s9], $0x6FFFF;
	_ =	strace $0x90000046  }
0xb5: {  	s29 =	simm.s32 $0x9;
	_ =	strace $0x80000048  }
0xb6: {  	_ =	swait.ge [sflag:s29], $0x1  }
0xb7: {  	[sflag:s29] =	ssyncadd.s32 $0xFFFFFFFF  }
0xb8: {  	_ =	strace $0x90000048  }
0xb9: {  	_ =	sfence  }
0xba: {  	s30 =	sld [smem:$0x0];
	_ =	sdelay $0x2  }
0xbb: {  	s31 =	sshll.u32 s1, $0xD;
	s1 =	sshrl.u32 s1, $0x2  }
0xbc: {  	s3 =	sand.u32 $0x4000, s31;
	s1 =	sadd.s32 s1, s30  }
0xbd: {  	s0 =	sor.u32 s3, s0;
	s1 =	sshll.u32 s1, $0x11  }
0xbe: {  	s0 =	sor.u32 s1, s0  }
0xbf: {  	s0 =	sadd.s32 $0x8F2B, s0  }
0xc0: {  	[sflag:s0] =	ssyncadd.remote.s32 $0x1  }
0xc1: {  	_ =	sfence.sel $0xFFFF  }
0xc2: {  	[dreg:$0x0] =	wrdreg $0xFFFFFFFF;
	(pc) =	sbr.abs _section_cstart, $3  }
0xc3: {  	[dreg:$0x1] =	wrdreg $0xFFFFFFFF  }
0xc4: {  	_ =	task.clear_ibuf [dreg:s9], $0x2FFFF;
	_ =	strace $0x9FFFFFFF  }
0xc5: {  	(tm) =	ssettm $0x7FFFFFFF  }
tec
execute0_lowered:
.L_overlay_start_1:
0x0: {  	(tag) =	ssettag $0x1  }
0x1: {  	v0 =	vimm.f32 $-1.500000000e+01;
	vm0 =	vcmask $0x300  }
0x2: {  	vm14 =	vcmask $0x704;
	v0 =	vsel vm0, $0x80000000, v0  }
0x3: {  	vm15 =	vcmask $0xB08;
	v0 =	vsel vm14, $0xBF800000, v0  }
0x4: {  	vm4 =	vcmask $0xF0C;
	s0 =	rddreg [dreg:$0x0];
	v0 =	vsel vm15, $0xC0000000, v0  }
0x5: {  	vm5 =	vcmask $0x1310;
	s1 =	rddreg [dreg:$0x1];
	v0 =	vsel vm4, $0xC0400000, v0  }
0x6: {  	s3 =	srdreg.scid;
	vm6 =	vcmask $0x1714;
	s4 =	rddreg [dreg:$0x2];
	v0 =	vsel vm5, $0xC0800000, v0  }
0x7: {  	s2 =	stileid.u32;
	vm7 =	vcmask $0x1B18;
	s5 =	simm.s32 $0x0;
	s12 =	simm.s32 $0x100;
	v0 =	vsel vm6, $0xC0A00000, v0  }
0x8: {  	vm8 =	vcmask $0x1F1C;
	s13 =	simm.s32 $0x4100;
	s14 =	simm.s32 $0x5;
	s15 =	simm.s32 $0x1;
	v0 =	vsel vm7, $0xC0C00000, v0  }
0x9: {  	vm9 =	vcmask $0x2320;
	s16 =	simm.s32 $0x80;
	s17 =	simm.s32 $0x8100;
	s18 =	simm.s32 $0x2;
	v0 =	vsel vm8, $0xC0E00000, v0  }
0xa: {  	vm10 =	vcmask $0x2724;
	s19 =	simm.s32 $0x4;
	s20 =	simm.s32 $0xC100;
	s21 =	simm.s32 $0x3;
	v0 =	vsel vm9, $0xC1000000, v0  }
0xb: {  	vm11 =	vcmask $0x2B28;
	s22 =	simm.s32 $0x0;
	s6 =	sand.u32 $0x1, s3;
	s3 =	rddreg [dreg:$0x3];
	v0 =	vsel vm10, $0xC1100000, v0  }
.Ltmp0:
0xc: {  	vm12 =	vcmask $0x2F2C;
	s7 =	sshll.u32 s2, $0x13;
	s8 =	sshll.u32 s6, $0x12;
	v0 =	vsel vm11, $0xC1200000, v0;
	(pc) =	sbr.rel .LBB2_1-.Ltmp0, $4  }
0xd: {  	vm13 =	vcmask $0x3330;
	[smem:$0x7FF] =	sst s5;
	s9 =	ssub.s32 $0x2, s6;
	s6 =	sor.u32 s8, s7;
	v0 =	vsel vm12, $0xC1300000, v0  }
0xe: {  	_ =	strace $0x80000047;
	vm14 =	vcmask $0x3734;
	s31 =	sshrl.u32 s9, $0x1;
	s8 =	sshrl.u32 s6, $0x3;
	v0 =	vsel vm13, $0xC1400000, v0  }
0xf: {  	vm15 =	vcmask $0x3B38;
	s11 =	ssub.s32 s9, s31;
	s9 =	sor.u32 $0x8000, s6;
	s7 =	sadd.s32 s0, s8;
	v0 =	vsel vm14, $0xC1500000, v0  }
0x10: {  	s10 =	sor.u32 $0xC000, s6;
	s11 =	smax.u32 s11, $0x1;
	s8 =	sadd.s32 $0x800, s7;
	v0 =	vsel vm15, $0xC1600000, v0  }
.LBB2_12:
0x11: {  	s22 =	sadd.s32 $0x1, s22  }
0x12: {  	_ =	swait.ge [sflag:s21], $0x4000;
	p0 =	sne.s32 s22, s11  }
.Ltmp1:
0x13: {  	[sflag:s21] =	ssyncset.done $0x0;
	(pc) =	sbr.rel @!p0 .LBB2_13-.Ltmp1, $4  }
0x14: {  	[sflag:s21] =	ssyncadd.s32 $0xFFFFC000  }
0x15: {  	_ =	swait.ge [sflag:s19], $0x4000  }
0x16: {  	[sflag:s19] =	ssyncset.done $0x0  }
0x17: {  	[sflag:s19] =	ssyncadd.s32 $0xFFFFC000  }
.LBB2_1:
0x18: {  	[tilespmem:s12], [sflag:$0x1] =	stream.linear.gather [hbm4b:s7+s5], $0x4000, $0x38;
	[tilespmem:$0x10100] =	vst v63  }
0x19: {  	_ = 	snop  }
0x1a: {  	[tilespmem:s13], [sflag:$0x2] =	stream.linear.gather [hbm4b:s8+s5], $0x4000, $0x38;
	[tilespmem:$0x10100] =	vst v63  }
0x1b: {  	_ = 	snop  }
0x1c: {  	[tilespmem:s5], [sflag:$0x5] =	stream.linear.gather [hbm4b:s1+s5], $0x80, $0x38;
	[tilespmem:$0x10100] =	vst v63  }
0x1d: {  	_ =	swait.ge [sflag:s14], $0x80  }
0x1e: {  	[sflag:s14] =	ssyncset.done $0x0  }
0x1f: {  	[sflag:s14] =	ssyncadd.s32 $0xFFFFFF80  }
0x20: {  	v1 =	vld [tilespmem:$0x0];
	_ =	sdelay $0x4  }
0x21: {  	v2 =	vand.u32 $0x7FFFFFFF, v1  }
0x22: {  	v2 =	vsub.f32 $0.0e+00, v2;
	_ =	sdelay $0x1  }
0x23: {  	v2 =	vmul.f32 $1.442695020e+00, v2;
	_ =	sdelay $0x1  }
0x24: {  	(erf) = vpow2.f32 v2;
	_ =	sdelay $0x8  }
0x25: {  	v2 =	vpop (erf)  }
0x26: {  	v2 =	vadd.f32 $1.000000000e+00, v2;
	_ =	sdelay $0x1  }
0x27: {  	v3 =	vadd.f32 $-1.000000000e+00, v2;
	_ =	sdelay $0x1  }
0x28: {  	v4 =	vmul.f32 $3.333333430e-01, v3;
	_ =	sdelay $0x1  }
0x29: {  	v4 =	vadd.f32 $-5.000000000e-01, v4;
	_ =	sdelay $0x1  }
0x2a: {  	v4 =	vmul.f32 v4, v3;
	_ =	sdelay $0x1  }
0x2b: {  	v4 =	vadd.f32 $1.000000000e+00, v4;
	_ =	sdelay $0x1  }
0x2c: {  	v3 =	vmul.f32 v4, v3;
	_ =	sdelay $0x1  }
0x2d: {  	v4 =	vsub.f32 $0.0e+00, v3;
	_ =	sdelay $0x1  }
0x2e: {  	v4 =	vmul.f32 $1.442695020e+00, v4;
	_ =	sdelay $0x1  }
0x2f: {  	(erf) = vpow2.f32 v4;
	_ =	sdelay $0x8  }
0x30: {  	v4 =	vpop (erf)  }
0x31: {  	v4 =	vmul.f32 v4, v2;
	_ =	sdelay $0x1  }
0x32: {  	v3 =	vadd.f32 v4, v3;
	_ =	sdelay $0x1  }
0x33: {  	v3 =	vadd.f32 $-1.000000000e+00, v3;
	_ =	sdelay $0x1  }
0x34: {  	v62 =	vsub.f32 $0.0e+00, v3;
	_ =	sdelay $0x1  }
0x35: {  	v4 =	vmul.f32 $1.442695020e+00, v62;
	_ =	sdelay $0x1  }
0x36: {  	(erf) = vpow2.f32 v4;
	_ =	sdelay $0x8  }
0x37: {  	v4 =	vpop (erf)  }
0x38: {  	v4 =	vmul.f32 v4, v2;
	_ =	sdelay $0x1  }
0x39: {  	v3 =	vadd.f32 v4, v3;
	_ =	sdelay $0x1  }
0x3a: {  	v3 =	vadd.f32 $-1.000000000e+00, v3;
	_ =	sdelay $0x1  }
0x3b: {  	v63 =	vsub.f32 $0.0e+00, v3;
	_ =	sdelay $0x1  }
0x3c: {  	v4 =	vmul.f32 $1.442695020e+00, v63;
	_ =	sdelay $0x1  }
0x3d: {  	(erf) = vpow2.f32 v4;
	_ =	sdelay $0x8  }
0x3e: {  	v4 =	vpop (erf)  }
0x3f: {  	v2 =	vmul.f32 v4, v2;
	_ =	sdelay $0x1  }
0x40: {  	v2 =	vadd.f32 v2, v3;
	_ =	sdelay $0x1  }
0x41: {  	v2 =	vadd.f32 $-1.000000000e+00, v2  }
0x42: {  	v1 =	vmax.f32 v1, $0.0e+00  }
0x43: {  	v1 =	vadd.f32 v2, v1;
	_ =	sdelay $0x1  }
0x44: {  	v1 =	vadd.f32 $9.999999930e-09, v1;
	_ =	sdelay $0x1  }
0x45: {  	(xrf2) =	vadd.scan.msk.f32 $0xffff, v1;
	_ =	sdelay $0x9  }
0x46: {  	v2, _, _ =	vpop (xrf2)  }
0x47: {  	v2 =	vbroadcast v2, $0xF;
	_ =	sdelay $0x1  }
0x48: {  	(erf) = vrcp.f32 v2;
	_ =	sdelay $0x8  }
0x49: {  	v2 =	vpop (erf)  }
0x4a: {  	v2 =	vmul.f32 $2.072326660e+01, v2;
	_ =	sdelay $0x1  }
0x4b: {  	v1 =	vmul.f32 v2, v1;
	_ =	sdelay $0x1  }
0x4c: {  	(xrf2) =	vadd.scan.msk.f32 $0xffff, v1;
	_ =	sdelay $0x9  }
0x4d: {  	v2, _, _ =	vpop (xrf2)  }
0x4e: {  	v2 =	vsub.f32 v2, v1;
	_ =	sdelay $0x1  }
0x4f: {  	v3 =	vmul.f32 v0, v1;
	v2 =	vadd.f32 $-2.072326660e+01, v2;
	_ =	sdelay $0x1  }
0x50: {  	v2 =	vadd.f32 v3, v2  }
0x51: {  	[tilespmem:$0x80] =	vst v1  }
0x52: {  	s23 =	simm.s32 $0x0;
	[tilespmem:$0x0] =	vst v2  }
.LBB2_2:
0x53: {  	_ =	swait.ge [sflag:s15], $0x4000  }
0x54: {  	p0 =	seq.s32 s23, $0x0;
	[sflag:s15] =	ssyncset.done $0x0  }
0x55: {  	s24 =	simm.s32 @!p0 $0x3;
	[sflag:s15] =	ssyncadd.s32 $0xFFFFC000  }
0x56: {  	_ =	swait.ge @!p0 [sflag:s24], $0x4000  }
0x57: {  	[sflag:s24] =	ssyncset.done @!p0 $0x0  }
0x58: {  	s25 =	simm.s32 $0x120;
	[sflag:s24] =	ssyncadd.s32 @!p0 $0xFFFFC000  }
0x59: {  	v1 =	vld [tilespmem:s25+$0xFFFFFFF0];
	_ =	sdelay $0x1  }
0x5a: {  	v2 =	vld [tilespmem:s25+$0x0];
	_ =	sdelay $0x1  }
0x5b: {  	v3 =	vld [tilespmem:s25+$0xFFFFFFE0]  }
0x5c: {  	v1 =	vmul.f32 $1.600000000e+01, v1  }
0x5d: {  	v4 =	vld [tilespmem:s25+$0x10]  }
0x5e: {  	s26 =	simm.s32 $0x160;
	v2 =	vmul.f32 $1.600000000e+01, v2;
	v5 =	vtrunc.f32 v1  }
0x5f: {  	v6 =	vld [tilespmem:s26+$0xFFFFFFF0];
	v5 =	vcvt.f32.s32 v5  }
0x60: {  	v7 =	vld [tilespmem:s26+$0xFFFFFFE0];
	v8 =	vmul.f32 $1.600000000e+01, v3;
	v3 =	vtrunc.f32 v2  }
0x61: {  	v9 =	vld [tilespmem:s26+$0x10];
	v3 =	vcvt.f32.s32 v3  }
0x62: {  	s31 =	simm.s32 $0x1A0;
	v11 =	vld [tilespmem:s26+$0x0];
	v4 =	vmul.f32 $1.600000000e+01, v4;
	v10 =	vtrunc.f32 v8  }
0x63: {  	v12 =	vld [tilespmem:s31+$0xFFFFFFF0];
	v10 =	vcvt.f32.s32 v10  }
0x64: {  	v14 =	vld [tilespmem:s31+$0xFFFFFFE0];
	v13 =	vtrunc.f32 v4  }
0x65: {  	v13 =	vcvt.f32.s32 v13;
	v15 =	vld.idx.msk [tilespmem:v5+s16+$0x0], $0xffff  }
0x66: {  	v16 =	vld.idx.msk [tilespmem:v5+s5+$0x0], $0xffff  }
0x67: {  	v17 =	vld.idx.msk [tilespmem:v3+s5+$0x0], $0xffff  }
0x68: {  	v21 =	vmul.f32 $1.600000000e+01, v6;
	v18 =	vld.idx.msk [tilespmem:v3+s16+$0x0], $0xffff  }
0x69: {  	v19 =	vld.idx.msk [tilespmem:v10+s16+$0x0], $0xffff  }
0x6a: {  	v6 =	vmul.f32 $1.600000000e+01, v11;
	v3 =	vtrunc.f32 v21;
	v20 =	vld.idx.msk [tilespmem:v10+s5+$0x0], $0xffff  }
0x6b: {  	v22 =	vld.idx.msk [tilespmem:v13+s5+$0x0], $0xffff;
	v5 =	vmul.f32 $1.600000000e+01, v7;
	v10 =	vcvt.f32.s32 v3  }
0x6c: {  	s28 =	simm.s32 $0x1E0;
	v7 =	vtrunc.f32 v6;
	v11 =	vld.idx.msk [tilespmem:v13+s16+$0x0], $0xffff;
	v3 =	vmul.f32 $1.600000000e+01, v9  }
0x6d: {  	v13 =	vld [tilespmem:s28+$0xFFFFFFE0];
	v23 =	vcvt.f32.s32 v7  }
0x6e: {  	v7 =	vld [tilespmem:s31+$0x10];
	v9 =	vtrunc.f32 v5;
	v25 =	vtrunc.f32 v3  }
0x6f: {  	v24 =	vcvt.f32.s32 v9;
	v9 =	vld [tilespmem:s28+$0xFFFFFFF0];
	v25 =	vcvt.f32.s32 v25  }
0x70: {  	v1 =	vmul.f32 v15, v1;
	v15 =	vld [tilespmem:s31+$0x0];
	v2 =	vmul.f32 v18, v2  }
0x71: {  	v18 =	vmul.f32 v11, v4;
	v4 =	vmul.f32 $1.600000000e+01, v12;
	v26 =	vld.idx.msk [tilespmem:v10+s16+$0x0], $0xffff  }
0x72: {  	v16 =	vadd.f32 v1, v16;
	v1 =	vmul.f32 $1.600000000e+01, v14;
	v14 =	vmul.f32 v19, v8;
	v10 =	vld.idx.msk [tilespmem:v10+s5+$0x0], $0xffff  }
0x73: {  	v8 =	vadd.f32 v2, v17;
	v2 =	vmul.f32 $1.600000000e+01, v7;
	v11 =	vld.idx.msk [tilespmem:v23+s5+$0x0], $0xffff;
	v12 =	vtrunc.f32 v4  }
0x74: {  	v17 =	vld.idx.msk [tilespmem:v23+s16+$0x0], $0xffff;
	v22 =	vadd.f32 v18, v22;
	v18 =	vcvt.f32.s32 v12;
	v16 =	vmul.f32 $1.442695020e+00, v16  }
0x75: {  	v19 =	vmul.f32 $1.442695020e+00, v8;
	v27 =	vtrunc.f32 v1;
	v8 =	vld.idx.msk [tilespmem:v24+s5+$0x0], $0xffff  }
0x76: {  	v7 =	vmul.f32 $1.600000000e+01, v15;
	v15 =	vld.idx.msk [tilespmem:v24+s16+$0x0], $0xffff;
	(erf) = vpow2.f32 v16  }
0x77: {  	v63 =	vmul.f32 $1.442695020e+00, v22;
	v12 =	vld.idx.msk [tilespmem:v25+s5+$0x0], $0xffff;
	v16 =	vadd.f32 v14, v20;
	(erf) = vpow2.f32 v19  }
0x78: {  	v20 =	vld [tilespmem:s28+$0x10];
	v23 =	vtrunc.f32 v7;
	v22 =	vmul.f32 v26, v21  }
0x79: {  	s29 =	simm.s32 $0xC0;
	s30 =	simm.s32 $0x220;
	s24 =	sshll.u32 s23, $0xF;
	v19 =	vld.idx.msk [tilespmem:v25+s16+$0x0], $0xffff;
	v14 =	vcvt.f32.s32 v23;
	v23 =	vmul.f32 $1.442695020e+00, v16  }
0x7a: {  	s25 =	sor.u32 s6, s24;
	s26 =	simm.s32 $0x8120;
	v21 =	vld [tilespmem:s28+$0x0];
	s28 =	simm.s32 $0x8120;
	v16 =	vcvt.f32.s32 v27;
	(erf) = vpow2.f32 v63  }
.LBB2_3:
0x7b: {  	v24 =	vld [tilespmem:s30+$0xFFFFFFF0];
	s29 =	sadd.s32 $0x40, s29;
	v25 =	vtrunc.f32 v2;
	v17 =	vmul.f32 v17, v6;
	s26 =	sadd.s32 $0x40, s26;
	v6 =	vmov v7  }
0x7c: {  	v22 =	vadd.f32 v22, v10;
	v26 =	vld [tilespmem:s30+$0xFFFFFFE0];
	p1 =	slt.u32 s29, $0x3FC0;
	v25 =	vcvt.f32.s32 v25;
	(erf) = vpow2.f32 v23  }
0x7d: {  	v15 =	vmul.f32 v15, v5;
	v5 =	vmovc v1;
	v1 =	vmul.f32 $1.600000000e+01, v13;
	v23 =	vld.idx.msk [tilespmem:v18+s16+$0x0], $0xffff;
	v27 =	vadd.f32 v17, v11  }
0x7e: {  	v13 =	vmul.f32 v19, v3;
	v3 =	vmov v2;
	v10 =	vld.idx.msk [tilespmem:v18+s5+$0x0], $0xffff;
	v2 =	vmul.f32 $1.600000000e+01, v20  }
0x7f: {  	v18 =	vmul.f32 $1.442695020e+00, v22;
	v7 =	vmul.f32 $1.600000000e+01, v21;
	v11 =	vld.idx.msk [tilespmem:v14+s5+$0x0], $0xffff;
	v19 =	vpop (erf)  }
0x80: {  	v28 =	vadd.f32 v15, v8;
	v21 =	vmul.f32 $1.600000000e+01, v9;
	v17 =	vld.idx.msk [tilespmem:v14+s16+$0x0], $0xffff;
	v14 =	vmul.f32 $1.442695020e+00, v27;
	[tilespmem:s28+$0xFFFFFFF0] =	vst v19;
	v8 =	vpop (erf)  }
0x81: {  	v20 =	vadd.f32 v13, v12;
	v27 =	vtrunc.f32 v1;
	v9 =	vmovc v24;
	v19 =	vtrunc.f32 v7;
	v15 =	vld.idx.msk [tilespmem:v16+s16+$0x0], $0xffff;
	[tilespmem:s28+$0x0] =	vst v8  }
.Ltmp2:
0x82: {  	v12 =	vtrunc.f32 v21;
	v13 =	vmov v26;
	v8 =	vld.idx.msk [tilespmem:v16+s5+$0x0], $0xffff;
	(erf) = vpow2.f32 v18;
	(pc) =	sbr.rel @p1 .LBB2_3-.Ltmp2, $4  }
0x83: {  	v18 =	vcvt.f32.s32 v12;
	v12 =	vld.idx.msk [tilespmem:v25+s5+$0x0], $0xffff;
	(erf) = vpow2.f32 v14;
	v16 =	vpop (erf)  }
0x84: {  	v24 =	vmul.f32 $1.442695020e+00, v20;
	v14 =	vcvt.f32.s32 v19;
	v19 =	vld.idx.msk [tilespmem:v25+s16+$0x0], $0xffff;
	[tilespmem:s28+$0x10] =	vst v16  }
0x85: {  	v22 =	vmul.f32 v23, v4;
	v23 =	vmul.f32 $1.442695020e+00, v28;
	v4 =	vmov v21;
	v20 =	vld [tilespmem:s30+$0x10];
	v25 =	vpop (erf)  }
0x86: {  	v16 =	vcvt.f32.s32 v27;
	v21 =	vld [tilespmem:s30+$0x0];
	s30 =	sadd.s32 $0x40, s30;
	(erf) = vpow2.f32 v24;
	[tilespmem:s28+$0xFFFFFFE0] =	vst v25;
	s28 =	smov.u32 s26  }
0x87: {  	_ = 	snop  }
0x88: {  	v24 =	vtrunc.f32 v2  }
0x89: {  	v6 =	vmul.f32 v17, v6;
	v9 =	vmul.f32 $1.600000000e+01, v9  }
0x8a: {  	(erf) = vpow2.f32 v23;
	v13 =	vmul.f32 $1.600000000e+01, v13  }
0x8b: {  	v38 =	vld.idx.msk [tilespmem:v18+s16+$0x0], $0xffff;
	v37 =	vcvt.f32.s32 v24;
	v41 =	vtrunc.f32 v9  }
0x8c: {  	v39 =	vld.idx.msk [tilespmem:v18+s5+$0x0], $0xffff;
	v3 =	vmul.f32 v19, v3;
	v25 =	vtrunc.f32 v13  }
0x8d: {  	v10 =	vadd.f32 v22, v10;
	v42 =	vld.idx.msk [tilespmem:v14+s5+$0x0], $0xffff;
	v20 =	vmul.f32 $1.600000000e+01, v20;
	v49 =	vcvt.f32.s32 v25  }
0x8e: {  	v43 =	vld.idx.msk [tilespmem:v14+s16+$0x0], $0xffff;
	v40 =	vmul.f32 $1.600000000e+01, v21;
	v21 =	vcvt.f32.s32 v41  }
0x8f: {  	v45 =	vld.idx.msk [tilespmem:v16+s16+$0x0], $0xffff;
	v10 =	vmul.f32 $1.442695020e+00, v10;
	v47 =	vtrunc.f32 v20  }
0x90: {  	v46 =	vld.idx.msk [tilespmem:v16+s5+$0x0], $0xffff;
	v6 =	vadd.f32 v6, v11;
	v44 =	vtrunc.f32 v40;
	v24 =	vcvt.f32.s32 v47  }
0x91: {  	v5 =	vmul.f32 v15, v5;
	v3 =	vadd.f32 v3, v12;
	v14 =	vcvt.f32.s32 v44;
	v26 =	vld.idx.msk [tilespmem:v37+s5+$0x0], $0xffff  }
0x92: {  	v6 =	vmul.f32 $1.442695020e+00, v6;
	(erf) = vpow2.f32 v10;
	v48 =	vld.idx.msk [tilespmem:v37+s16+$0x0], $0xffff  }
0x93: {  	v4 =	vmul.f32 v38, v4;
	v3 =	vmul.f32 $1.442695020e+00, v3;
	v56 =	vld.idx.msk [tilespmem:v49+s16+$0x0], $0xffff  }
0x94: {  	v5 =	vadd.f32 v5, v8;
	v7 =	vmul.f32 v43, v7;
	(erf) = vpow2.f32 v6;
	v50 =	vld.idx.msk [tilespmem:v21+s16+$0x0], $0xffff  }
0x95: {  	(erf) = vpow2.f32 v3;
	v3 =	vadd.f32 v4, v39;
	v51 =	vld.idx.msk [tilespmem:v21+s5+$0x0], $0xffff  }
0x96: {  	v5 =	vmul.f32 $1.442695020e+00, v5;
	v1 =	vmul.f32 v45, v1;
	v54 =	vadd.f32 v7, v42;
	v55 =	vld.idx.msk [tilespmem:v24+s16+$0x0], $0xffff  }
0x97: {  	v3 =	vmul.f32 $1.442695020e+00, v3;
	v2 =	vmul.f32 v48, v2;
	v53 =	vld.idx.msk [tilespmem:v14+s16+$0x0], $0xffff  }
0x98: {  	v1 =	vadd.f32 v1, v46;
	(erf) = vpow2.f32 v5;
	v5 =	vmul.f32 $1.442695020e+00, v54;
	v57 =	vld.idx.msk [tilespmem:v24+s5+$0x0], $0xffff  }
0x99: {  	(erf) = vpow2.f32 v3;
	v52 =	vld.idx.msk [tilespmem:v14+s5+$0x0], $0xffff;
	v2 =	vadd.f32 v2, v26;
	v3 =	vmul.f32 v50, v9  }
0x9a: {  	v12 =	vld.idx.msk [tilespmem:v49+s5+$0x0], $0xffff;
	v1 =	vmul.f32 $1.442695020e+00, v1;
	(erf) = vpow2.f32 v5  }
0x9b: {  	v60 =	vmul.f32 v56, v13;
	v2 =	vmul.f32 $1.442695020e+00, v2;
	v3 =	vadd.f32 v3, v51  }
0x9c: {  	v59 =	vpop (erf);
	v58 =	vmul.f32 v55, v20;
	v4 =	vmul.f32 v53, v40  }
0x9d: {  	v61 =	vpop (erf);
	(erf) = vpow2.f32 v2;
	v2 =	vmul.f32 $1.442695020e+00, v3  }
0x9e: {  	v3 =	vadd.f32 v58, v57;
	(erf) = vpow2.f32 v1;
	v4 =	vadd.f32 v4, v52  }
0x9f: {  	[tilespmem:s28+$0xFFFFFFF0] =	vst v59;
	v62 =	vpop (erf);
	v1 =	vadd.f32 v60, v12;
	(erf) = vpow2.f32 v2  }
0xa0: {  	[tilespmem:s28+$0x0] =	vst v61;
	v2 =	vmul.f32 $1.442695020e+00, v3;
	v4 =	vmul.f32 $1.442695020e+00, v4  }
0xa1: {  	[tilespmem:s28+$0x10] =	vst v62;
	v63 =	vpop (erf);
	v1 =	vmul.f32 $1.442695020e+00, v1  }
0xa2: {  	s26 =	sadd.s32 $0x40, s26;
	[tilespmem:s28+$0xFFFFFFE0] =	vst v63;
	v3 =	vpop (erf);
	(erf) = vpow2.f32 v4  }
0xa3: {  	[tilespmem:s26+$0xFFFFFFF0] =	vst v3;
	v3 =	vpop (erf);
	(erf) = vpow2.f32 v2  }
0xa4: {  	[tilespmem:s26+$0x0] =	vst v3;
	v2 =	vpop (erf);
	(erf) = vpow2.f32 v1  }
0xa5: {  	v1 =	vpop (erf);
	[tilespmem:s26+$0x10] =	vst v2  }
0xa6: {  	s29 =	sadd.s32 $0x40, s26;
	v2 =	vpop (erf);
	[tilespmem:s26+$0xFFFFFFE0] =	vst v1  }
0xa7: {  	v1 =	vpop (erf);
	[tilespmem:s29+$0xFFFFFFF0] =	vst v2  }
0xa8: {  	v2 =	vpop (erf);
	[tilespmem:s29+$0x0] =	vst v1  }
0xa9: {  	v1 =	vpop (erf);
	[tilespmem:s29+$0x10] =	vst v2  }
0xaa: {  	p1 =	sne.s32 s23, $0x7;
	s30 =	sadd.s32 $0x40, s29;
	[tilespmem:s29+$0xFFFFFFE0] =	vst v1;
	v1 =	vpop (erf)  }
.Ltmp3:
0xab: {  	[tilespmem:s30+$0xFFFFFFF0] =	vst v1;
	v1 =	vpop (erf);
	(pc) =	sbr.rel @p1 .LBB2_6-.Ltmp3, $4  }
0xac: {  	[tilespmem:s30+$0x0] =	vst v1;
	v1 =	vpop (erf)  }
0xad: {  	s25 =	sshrl.u32 s25, $0x3;
	[tilespmem:s30+$0x10] =	vst v1;
	v1 =	vpop (erf)  }
0xae: {  	s31 =	sadd.s32 s4, s25;
	[tilespmem:s30+$0xFFFFFFE0] =	vst v1  }
0xaf: {  	[hbm4b:s31+s5] =	stream.linear.scatter [tilespmem:s17], [sflag:$0x3], $0x4000, $0x38;
	[tilespmem:$0x10100] =	vst v63  }
.Ltmp4:
0xb0: {  	(pc) =	sbr.rel .LBB2_7-.Ltmp4, $4  }
0xb1: {  	_ = 	snop  }
0xb2: {  	_ =	swait.ge [sflag:s18], $0x4000  }
0xb3: {  	[sflag:s18] =	ssyncset.done $0x0  }
0xb4: {  	[sflag:s18] =	ssyncadd.s32 $0xFFFFC000  }
.LBB2_6:
0xb5: {  	s26 =	sadd.s32 s24, s9  }
0xb6: {  	s26 =	sshrl.u32 s26, $0x3  }
.Ltmp5:
0xb7: {  	s26 =	sadd.s32 s0, s26;
	(pc) =	sbr.rel @p0 .LBB2_8-.Ltmp5, $4  }
0xb8: {  	[tilespmem:s12], [sflag:$0x1] =	stream.linear.gather [hbm4b:s26+s5], $0x4000, $0x38;
	[tilespmem:$0x10100] =	vst v63  }
0xb9: {  	_ =	swait.ge [sflag:s18], $0x4000  }
0xba: {  	[sflag:s18] =	ssyncset.done $0x0  }
0xbb: {  	[sflag:s18] =	ssyncadd.s32 $0xFFFFC000  }
.LBB2_7:
0xbc: {  	_ =	swait.ge [sflag:s19], $0x4000  }
0xbd: {  	[sflag:s19] =	ssyncset.done $0x0  }
0xbe: {  	[sflag:s19] =	ssyncadd.s32 $0xFFFFC000  }
.LBB2_8:
0xbf: {  	s26 =	simm.s32 $0x4120  }
0xc0: {  	v1 =	vld [tilespmem:s26+$0xFFFFFFF0];
	_ =	sdelay $0x1  }
0xc1: {  	v2 =	vld [tilespmem:s26+$0x0];
	_ =	sdelay $0x1  }
0xc2: {  	v3 =	vld [tilespmem:s26+$0xFFFFFFE0]  }
0xc3: {  	v1 =	vmul.f32 $1.600000000e+01, v1  }
0xc4: {  	v4 =	vld [tilespmem:s26+$0x10]  }
0xc5: {  	s31 =	simm.s32 $0x4160;
	v2 =	vmul.f32 $1.600000000e+01, v2;
	v5 =	vtrunc.f32 v1  }
0xc6: {  	v6 =	vld [tilespmem:s31+$0xFFFFFFF0];
	v5 =	vcvt.f32.s32 v5  }
0xc7: {  	v7 =	vld [tilespmem:s31+$0xFFFFFFE0];
	v8 =	vmul.f32 $1.600000000e+01, v3;
	v3 =	vtrunc.f32 v2  }
0xc8: {  	v9 =	vld [tilespmem:s31+$0x10];
	v3 =	vcvt.f32.s32 v3  }
0xc9: {  	v11 =	vld [tilespmem:s31+$0x0];
	s31 =	simm.s32 $0x41A0;
	v4 =	vmul.f32 $1.600000000e+01, v4;
	v10 =	vtrunc.f32 v8  }
0xca: {  	v12 =	vld [tilespmem:s31+$0xFFFFFFF0];
	v10 =	vcvt.f32.s32 v10  }
0xcb: {  	v14 =	vld [tilespmem:s31+$0xFFFFFFE0];
	v13 =	vtrunc.f32 v4  }
0xcc: {  	v13 =	vcvt.f32.s32 v13;
	v15 =	vld.idx.msk [tilespmem:v5+s16+$0x0], $0xffff  }
0xcd: {  	v16 =	vld.idx.msk [tilespmem:v5+s5+$0x0], $0xffff  }
0xce: {  	v17 =	vld.idx.msk [tilespmem:v3+s5+$0x0], $0xffff  }
0xcf: {  	v21 =	vmul.f32 $1.600000000e+01, v6;
	v18 =	vld.idx.msk [tilespmem:v3+s16+$0x0], $0xffff  }
0xd0: {  	v19 =	vld.idx.msk [tilespmem:v10+s16+$0x0], $0xffff  }
0xd1: {  	v6 =	vmul.f32 $1.600000000e+01, v11;
	v3 =	vtrunc.f32 v21;
	v20 =	vld.idx.msk [tilespmem:v10+s5+$0x0], $0xffff  }
0xd2: {  	v22 =	vld.idx.msk [tilespmem:v13+s5+$0x0], $0xffff;
	v5 =	vmul.f32 $1.600000000e+01, v7;
	v10 =	vcvt.f32.s32 v3  }
0xd3: {  	s28 =	simm.s32 $0x41E0;
	v7 =	vtrunc.f32 v6;
	v11 =	vld.idx.msk [tilespmem:v13+s16+$0x0], $0xffff;
	v3 =	vmul.f32 $1.600000000e+01, v9  }
0xd4: {  	v13 =	vld [tilespmem:s28+$0xFFFFFFE0];
	v23 =	vcvt.f32.s32 v7  }
0xd5: {  	v7 =	vld [tilespmem:s31+$0x10];
	v9 =	vtrunc.f32 v5;
	v25 =	vtrunc.f32 v3  }
0xd6: {  	v24 =	vcvt.f32.s32 v9;
	v9 =	vld [tilespmem:s28+$0xFFFFFFF0];
	v25 =	vcvt.f32.s32 v25  }
0xd7: {  	v1 =	vmul.f32 v15, v1;
	v15 =	vld [tilespmem:s31+$0x0];
	v2 =	vmul.f32 v18, v2  }
0xd8: {  	v18 =	vmul.f32 v11, v4;
	v4 =	vmul.f32 $1.600000000e+01, v12;
	v26 =	vld.idx.msk [tilespmem:v10+s16+$0x0], $0xffff  }
0xd9: {  	v16 =	vadd.f32 v1, v16;
	v1 =	vmul.f32 $1.600000000e+01, v14;
	v14 =	vmul.f32 v19, v8;
	v10 =	vld.idx.msk [tilespmem:v10+s5+$0x0], $0xffff  }
0xda: {  	v8 =	vadd.f32 v2, v17;
	v2 =	vmul.f32 $1.600000000e+01, v7;
	v11 =	vld.idx.msk [tilespmem:v23+s5+$0x0], $0xffff;
	v12 =	vtrunc.f32 v4  }
0xdb: {  	v17 =	vld.idx.msk [tilespmem:v23+s16+$0x0], $0xffff;
	v22 =	vadd.f32 v18, v22;
	v18 =	vcvt.f32.s32 v12;
	v16 =	vmul.f32 $1.442695020e+00, v16  }
0xdc: {  	v19 =	vmul.f32 $1.442695020e+00, v8;
	v27 =	vtrunc.f32 v1;
	v8 =	vld.idx.msk [tilespmem:v24+s5+$0x0], $0xffff  }
0xdd: {  	v7 =	vmul.f32 $1.600000000e+01, v15;
	v15 =	vld.idx.msk [tilespmem:v24+s16+$0x0], $0xffff;
	(erf) = vpow2.f32 v16  }
0xde: {  	v63 =	vmul.f32 $1.442695020e+00, v22;
	v12 =	vld.idx.msk [tilespmem:v25+s5+$0x0], $0xffff;
	v16 =	vadd.f32 v14, v20;
	(erf) = vpow2.f32 v19  }
0xdf: {  	v20 =	vld [tilespmem:s28+$0x10];
	v23 =	vtrunc.f32 v7;
	v22 =	vmul.f32 v26, v21  }
0xe0: {  	s29 =	simm.s32 $0xC0;
	v19 =	vld.idx.msk [tilespmem:v25+s16+$0x0], $0xffff;
	v14 =	vcvt.f32.s32 v23;
	v23 =	vmul.f32 $1.442695020e+00, v16  }
0xe1: {  	s30 =	simm.s32 $0x4220;
	s26 =	simm.s32 $0xC120;
	v21 =	vld [tilespmem:s28+$0x0];
	s28 =	simm.s32 $0xC120;
	v16 =	vcvt.f32.s32 v27;
	(erf) = vpow2.f32 v63  }
.LBB2_9:
0xe2: {  	v24 =	vld [tilespmem:s30+$0xFFFFFFF0];
	s29 =	sadd.s32 $0x40, s29;
	v25 =	vtrunc.f32 v2;
	v17 =	vmul.f32 v17, v6;
	s26 =	sadd.s32 $0x40, s26;
	v6 =	vmov v7  }
0xe3: {  	v22 =	vadd.f32 v22, v10;
	v26 =	vld [tilespmem:s30+$0xFFFFFFE0];
	p0 =	slt.u32 s29, $0x3FC0;
	v25 =	vcvt.f32.s32 v25;
	(erf) = vpow2.f32 v23  }
0xe4: {  	v15 =	vmul.f32 v15, v5;
	v5 =	vmovc v1;
	v1 =	vmul.f32 $1.600000000e+01, v13;
	v23 =	vld.idx.msk [tilespmem:v18+s16+$0x0], $0xffff;
	v27 =	vadd.f32 v17, v11  }
0xe5: {  	v13 =	vmul.f32 v19, v3;
	v3 =	vmov v2;
	v10 =	vld.idx.msk [tilespmem:v18+s5+$0x0], $0xffff;
	v2 =	vmul.f32 $1.600000000e+01, v20  }
0xe6: {  	v18 =	vmul.f32 $1.442695020e+00, v22;
	v7 =	vmul.f32 $1.600000000e+01, v21;
	v11 =	vld.idx.msk [tilespmem:v14+s5+$0x0], $0xffff;
	v19 =	vpop (erf)  }
0xe7: {  	v28 =	vadd.f32 v15, v8;
	v21 =	vmul.f32 $1.600000000e+01, v9;
	v17 =	vld.idx.msk [tilespmem:v14+s16+$0x0], $0xffff;
	v14 =	vmul.f32 $1.442695020e+00, v27;
	[tilespmem:s28+$0xFFFFFFF0] =	vst v19;
	v8 =	vpop (erf)  }
0xe8: {  	v20 =	vadd.f32 v13, v12;
	v27 =	vtrunc.f32 v1;
	v9 =	vmovc v24;
	v19 =	vtrunc.f32 v7;
	v15 =	vld.idx.msk [tilespmem:v16+s16+$0x0], $0xffff;
	[tilespmem:s28+$0x0] =	vst v8  }
.Ltmp6:
0xe9: {  	v12 =	vtrunc.f32 v21;
	v13 =	vmov v26;
	v8 =	vld.idx.msk [tilespmem:v16+s5+$0x0], $0xffff;
	(erf) = vpow2.f32 v18;
	(pc) =	sbr.rel @p0 .LBB2_9-.Ltmp6, $4  }
0xea: {  	v18 =	vcvt.f32.s32 v12;
	v12 =	vld.idx.msk [tilespmem:v25+s5+$0x0], $0xffff;
	(erf) = vpow2.f32 v14;
	v16 =	vpop (erf)  }
0xeb: {  	v24 =	vmul.f32 $1.442695020e+00, v20;
	v14 =	vcvt.f32.s32 v19;
	v19 =	vld.idx.msk [tilespmem:v25+s16+$0x0], $0xffff;
	[tilespmem:s28+$0x10] =	vst v16  }
0xec: {  	v22 =	vmul.f32 v23, v4;
	v23 =	vmul.f32 $1.442695020e+00, v28;
	v4 =	vmov v21;
	v20 =	vld [tilespmem:s30+$0x10];
	v25 =	vpop (erf)  }
0xed: {  	v16 =	vcvt.f32.s32 v27;
	v21 =	vld [tilespmem:s30+$0x0];
	s30 =	sadd.s32 $0x40, s30;
	(erf) = vpow2.f32 v24;
	[tilespmem:s28+$0xFFFFFFE0] =	vst v25;
	s28 =	smov.u32 s26  }
0xee: {  	_ = 	snop  }
0xef: {  	v24 =	vtrunc.f32 v2  }
0xf0: {  	v6 =	vmul.f32 v17, v6;
	v9 =	vmul.f32 $1.600000000e+01, v9  }
0xf1: {  	(erf) = vpow2.f32 v23;
	v13 =	vmul.f32 $1.600000000e+01, v13  }
0xf2: {  	v38 =	vld.idx.msk [tilespmem:v18+s16+$0x0], $0xffff;
	v37 =	vcvt.f32.s32 v24;
	v41 =	vtrunc.f32 v9  }
0xf3: {  	v39 =	vld.idx.msk [tilespmem:v18+s5+$0x0], $0xffff;
	v3 =	vmul.f32 v19, v3;
	v25 =	vtrunc.f32 v13  }
0xf4: {  	v10 =	vadd.f32 v22, v10;
	v42 =	vld.idx.msk [tilespmem:v14+s5+$0x0], $0xffff;
	v20 =	vmul.f32 $1.600000000e+01, v20;
	v49 =	vcvt.f32.s32 v25  }
0xf5: {  	v43 =	vld.idx.msk [tilespmem:v14+s16+$0x0], $0xffff;
	v40 =	vmul.f32 $1.600000000e+01, v21;
	v21 =	vcvt.f32.s32 v41  }
0xf6: {  	v45 =	vld.idx.msk [tilespmem:v16+s16+$0x0], $0xffff;
	v10 =	vmul.f32 $1.442695020e+00, v10;
	v47 =	vtrunc.f32 v20  }
0xf7: {  	v46 =	vld.idx.msk [tilespmem:v16+s5+$0x0], $0xffff;
	v6 =	vadd.f32 v6, v11;
	v44 =	vtrunc.f32 v40;
	v24 =	vcvt.f32.s32 v47  }
0xf8: {  	v5 =	vmul.f32 v15, v5;
	v3 =	vadd.f32 v3, v12;
	v14 =	vcvt.f32.s32 v44;
	v26 =	vld.idx.msk [tilespmem:v37+s5+$0x0], $0xffff  }
0xf9: {  	v6 =	vmul.f32 $1.442695020e+00, v6;
	(erf) = vpow2.f32 v10;
	v48 =	vld.idx.msk [tilespmem:v37+s16+$0x0], $0xffff  }
0xfa: {  	v4 =	vmul.f32 v38, v4;
	v3 =	vmul.f32 $1.442695020e+00, v3;
	v56 =	vld.idx.msk [tilespmem:v49+s16+$0x0], $0xffff  }
0xfb: {  	v5 =	vadd.f32 v5, v8;
	v7 =	vmul.f32 v43, v7;
	(erf) = vpow2.f32 v6;
	v50 =	vld.idx.msk [tilespmem:v21+s16+$0x0], $0xffff  }
0xfc: {  	(erf) = vpow2.f32 v3;
	v3 =	vadd.f32 v4, v39;
	v51 =	vld.idx.msk [tilespmem:v21+s5+$0x0], $0xffff  }
0xfd: {  	v5 =	vmul.f32 $1.442695020e+00, v5;
	v1 =	vmul.f32 v45, v1;
	v54 =	vadd.f32 v7, v42;
	v55 =	vld.idx.msk [tilespmem:v24+s16+$0x0], $0xffff  }
0xfe: {  	v3 =	vmul.f32 $1.442695020e+00, v3;
	v2 =	vmul.f32 v48, v2;
	v53 =	vld.idx.msk [tilespmem:v14+s16+$0x0], $0xffff  }
0xff: {  	v1 =	vadd.f32 v1, v46;
	(erf) = vpow2.f32 v5;
	v5 =	vmul.f32 $1.442695020e+00, v54;
	v57 =	vld.idx.msk [tilespmem:v24+s5+$0x0], $0xffff  }
0x100: {  	(erf) = vpow2.f32 v3;
	v52 =	vld.idx.msk [tilespmem:v14+s5+$0x0], $0xffff;
	v2 =	vadd.f32 v2, v26;
	v3 =	vmul.f32 v50, v9  }
0x101: {  	v12 =	vld.idx.msk [tilespmem:v49+s5+$0x0], $0xffff;
	v1 =	vmul.f32 $1.442695020e+00, v1;
	(erf) = vpow2.f32 v5  }
0x102: {  	v60 =	vmul.f32 v56, v13;
	v2 =	vmul.f32 $1.442695020e+00, v2;
	v3 =	vadd.f32 v3, v51  }
0x103: {  	v59 =	vpop (erf);
	v58 =	vmul.f32 v55, v20;
	v4 =	vmul.f32 v53, v40  }
0x104: {  	v61 =	vpop (erf);
	(erf) = vpow2.f32 v2;
	v2 =	vmul.f32 $1.442695020e+00, v3  }
0x105: {  	v3 =	vadd.f32 v58, v57;
	(erf) = vpow2.f32 v1;
	v4 =	vadd.f32 v4, v52  }
0x106: {  	[tilespmem:s28+$0xFFFFFFF0] =	vst v59;
	v62 =	vpop (erf);
	v1 =	vadd.f32 v60, v12;
	(erf) = vpow2.f32 v2  }
0x107: {  	[tilespmem:s28+$0x0] =	vst v61;
	v2 =	vmul.f32 $1.442695020e+00, v3;
	v4 =	vmul.f32 $1.442695020e+00, v4  }
0x108: {  	[tilespmem:s28+$0x10] =	vst v62;
	v63 =	vpop (erf);
	v1 =	vmul.f32 $1.442695020e+00, v1  }
0x109: {  	s26 =	sadd.s32 $0x40, s26;
	[tilespmem:s28+$0xFFFFFFE0] =	vst v63;
	v3 =	vpop (erf);
	(erf) = vpow2.f32 v4  }
0x10a: {  	[tilespmem:s26+$0xFFFFFFF0] =	vst v3;
	v3 =	vpop (erf);
	(erf) = vpow2.f32 v2  }
0x10b: {  	[tilespmem:s26+$0x0] =	vst v3;
	v2 =	vpop (erf);
	(erf) = vpow2.f32 v1  }
0x10c: {  	v1 =	vpop (erf);
	[tilespmem:s26+$0x10] =	vst v2  }
0x10d: {  	s30 =	sadd.s32 $0x40, s26;
	v2 =	vpop (erf);
	[tilespmem:s26+$0xFFFFFFE0] =	vst v1  }
0x10e: {  	v1 =	vpop (erf);
	[tilespmem:s30+$0xFFFFFFF0] =	vst v2  }
0x10f: {  	v2 =	vpop (erf);
	[tilespmem:s30+$0x0] =	vst v1  }
0x110: {  	v1 =	vpop (erf);
	[tilespmem:s30+$0x10] =	vst v2  }
0x111: {  	p0 =	seq.s32 s23, $0x7;
	s31 =	sadd.s32 $0x40, s30;
	[tilespmem:s30+$0xFFFFFFE0] =	vst v1;
	v1 =	vpop (erf)  }
.Ltmp7:
0x112: {  	[tilespmem:s31+$0xFFFFFFF0] =	vst v1;
	v1 =	vpop (erf);
	(pc) =	sbr.rel @p0 .LBB2_12-.Ltmp7, $4  }
0x113: {  	[tilespmem:s31+$0x0] =	vst v1;
	v1 =	vpop (erf)  }
0x114: {  	s25 =	sadd.s32 s25, s4;
	[tilespmem:s31+$0x10] =	vst v1;
	v1 =	vpop (erf)  }
0x115: {  	s25 =	sadd.s32 $0x800, s25;
	[tilespmem:s31+$0xFFFFFFE0] =	vst v1  }
0x116: {  	[hbm4b:s25+s5] =	stream.linear.scatter [tilespmem:s20], [sflag:$0x4], $0x4000, $0x38;
	[tilespmem:$0x10100] =	vst v63  }
.Ltmp8:
0x117: {  	(pc) =	sbr.rel .LBB2_2-.Ltmp8, $4  }
0x118: {  	s24 =	sadd.s32 s24, s10  }
0x119: {  	s24 =	sshrl.u32 s24, $0x3  }
0x11a: {  	s23 =	sadd.s32 $0x1, s23;
	s24 =	sadd.s32 s0, s24  }
0x11b: {  	[tilespmem:s13], [sflag:$0x2] =	stream.linear.gather [hbm4b:s24+s5], $0x4000, $0x38;
	[tilespmem:$0x10100] =	vst v63  }
.LBB2_13:
0x11c: {  	_ =	sfence.sel $0x180000  }
0x11d: {  	[bflag:$0x0] =	sbarrier.arrive $0xFFFF  }
0x11e: {  	p0 =	sne.s32 s2, $0x0;
	_ =	strace $0x90000047  }
0x11f: {  	s0 =	sadd.s32 @!p0 $0x100000, s3;
	[bflag:$0x2] =	sbarrier.arrive $0xFFFF  }
0x120: {  	[sflag:s0] =	ssyncadd.tile.s32 @!p0 $0x1;
	_ =	shalt  }
.Lfunc_end2:
_tile_overlayer_lowered:
.L_overlay_start_2:
0x121: {  	(tag) =	ssettag $0x2  }
0x122: {  	s0 =	rddreg [dreg:$0x0];
	s2 =	stileid.u32  }
0x123: {  	s1 =	rddreg [dreg:$0x1];
	p0 =	sne.s32 s2, $0x0  }
0x124: {  	s3 =	rddreg [dreg:$0x2];
	[bflag:$0x3] =	sbarrier.arrive $0xFFFF;
	s2 =	simm.s32 @!p0 $0x1C05  }
0x125: {  	[timem:s3], [sflag:s2] =	dma.local @!p0 [hbm:s0], s1  }
0x126: {  	s0 =	simm.s32 @!p0 $0x5  }
0x127: {  	_ =	swait.ge @!p0 [sflag:s0], s1  }
0x128: {  	s1 =	ssub.s32 @!p0 $0x0, s1;
	[sflag:s0] =	ssyncset.done @!p0 $0x0  }
0x129: {  	[sflag:s0] =	ssyncadd.s32 @!p0 s1  }
0x12a: {  	[bflag:$0x3] =	sbarrier.arrive $0xFFFF  }
0x12b: {  	_ =	shalt  }

</sc_bundles>
